<compile_context>
chip_gen: v7x
topology: tpu7x:2x2x1
jax: 0.10.2.dev20260603
libtpu: 0.0.44.dev20260713+nightly
codegen_flags: <defaults>
</compile_context>

<pallas_src>
import numpy as np
import jax
import jax.numpy as jnp
from jax import lax
from jax.experimental import pallas as pl
from jax.experimental.pallas import tpu as pltpu
from jax.experimental.pallas import tpu_sc as plsc

_NWORDS = 8192
_K = 50
_EMB = 64
_ROW = 2 * _EMB
_TP = _NWORDS * _K // 2

_NC, _NS = 2, 16
_NWK = _NC * _NS
_IPW = _TP // _NWK
_PPW = 512
_CH = 128
_NCH = _PPW // _CH
_SCP = _NWK * _PPW
_SCBASE = _TP - _SCP

_TCB = 1024
_TCG = _SCBASE // _TCB

_WEF = (2 * np.arange(_TP, dtype=np.int32)) // _K
_WOF = (2 * np.arange(_TP, dtype=np.int32) + 1) // _K

_mesh = plsc.VectorSubcoreMesh(
    core_axis_name="c", subcore_axis_name="s", num_cores=_NC, num_subcores=_NS
)


def _bucket(word, top):
    d = jnp.maximum(word - top, 1)
    one = jnp.int32(1)
    zero = jnp.int32(0)
    bl = (
        4
        + jnp.where(d >= 8, one, zero)
        + jnp.where(d >= 16, one, zero)
        + jnp.where(d >= 32, one, zero)
        + jnp.where(d >= 64, one, zero)
    )
    return jnp.where(d < 5, d - 1, bl)



def _sc_body(top_hbm, we_hbm, wo_hbm, ptab_hbm, out_hbm, pidx_hbm,
             top_v, we_v, wo_v, pidx_v, ttop_v, twe_v, two_v,
             ptab_v, ptab_s, idx_v, rows0, rows1, gsem, osem0, osem1):
    sid = lax.axis_index("s")
    wid = sid * _NC + lax.axis_index("c")
    lane = lax.iota(jnp.int32, 16)
    lane2 = 2 * lane

    ibase = wid * _IPW
    pltpu.sync_copy(top_hbm.at[pl.ds(2 * ibase, 2 * _IPW)], top_v)
    pltpu.sync_copy(we_hbm.at[pl.ds(ibase, _IPW)], we_v)
    pltpu.sync_copy(wo_hbm.at[pl.ds(ibase, _IPW)], wo_v)

    def idx_group(g, carry):
        j = g * 16
        te = plsc.load_gather(top_v, [2 * j + lane2])
        to = plsc.load_gather(top_v, [2 * j + lane2 + 1])
        we = we_v[pl.ds(j, 16)]
        wo = wo_v[pl.ds(j, 16)]
        pidx_v[pl.ds(j, 16)] = _bucket(we, te) * 9 + _bucket(wo, to)
        return carry

    lax.fori_loop(0, _IPW // 16, idx_group, 0)
    pltpu.sync_copy(pidx_v, pidx_hbm.at[pl.ds(ibase, _IPW)])

    pbase = _SCBASE + wid * _PPW
    pltpu.sync_copy(top_hbm.at[pl.ds(2 * pbase, 2 * _PPW)], ttop_v)
    pltpu.sync_copy(we_hbm.at[pl.ds(pbase, _PPW)], twe_v)
    pltpu.sync_copy(wo_hbm.at[pl.ds(pbase, _PPW)], two_v)
    pltpu.sync_copy(ptab_hbm, ptab_v)
    pltpu.sync_copy(ptab_hbm, ptab_s.at[pl.ds(sid * 81, 81)])
    sbase = sid * 81

    def pair_indices(j):
        te = plsc.load_gather(ttop_v, [2 * j + lane2])
        to = plsc.load_gather(ttop_v, [2 * j + lane2 + 1])
        we = twe_v[pl.ds(j, 16)]
        wo = two_v[pl.ds(j, 16)]
        return _bucket(we, te) * 9 + _bucket(wo, to)

    def compute_idx(c, idxbuf):
        for g in range(_CH // 16):
            idxbuf[pl.ds(g * 16, 16)] = pair_indices(c * _CH + g * 16) + sbase

    def fill(c, rowsbuf):
        def group(g, carry):
            gaddr = pair_indices(c * _CH + g * 16)
            prow = lane + g * 16

            @plsc.parallel_loop(0, _ROW, step=1, unroll=8)
            def colloop(t):
                colv = (t + lane) & (_ROW - 1)
                v = plsc.load_gather(ptab_v, [gaddr, colv])
                plsc.store_scatter(rowsbuf, [prow, colv], v)

            return carry

        lax.fori_loop(0, _CH // 16, group, 0)

    def out_ref(c):
        return out_hbm.at[pl.ds(pbase + c * _CH, _CH)]

    def step(i, carry):
        c0 = 2 * i
        c1 = 2 * i + 1
        compute_idx(c0, idx_v)

        @pl.when(i >= 1)
        def _():
            pltpu.make_async_copy(rows0, out_ref(c0 - 2), osem0).wait()

        pltpu.async_copy(ptab_s.at[idx_v], rows0, gsem)

        @pl.when(i >= 1)
        def _():
            pltpu.make_async_copy(rows1, out_ref(c1 - 2), osem1).wait()

        fill(c1, rows1)
        pltpu.async_copy(rows1, out_ref(c1), osem1)
        pltpu.make_async_copy(ptab_s.at[idx_v], rows0, gsem).wait()
        pltpu.async_copy(rows0, out_ref(c0), osem0)
        return carry

    lax.fori_loop(0, _NCH // 2, step, 0)
    pltpu.make_async_copy(rows0, out_ref(_NCH - 2), osem0).wait()
    pltpu.make_async_copy(rows1, out_ref(_NCH - 1), osem1).wait()


_sc_lookup = pl.kernel(
    _sc_body,
    out_type=[
        jax.ShapeDtypeStruct((_TP, _ROW), jnp.float32),
        jax.ShapeDtypeStruct((_TP,), jnp.int32),
    ],
    mesh=_mesh,
    scratch_types=[
        pltpu.VMEM((2 * _IPW,), jnp.int32),
        pltpu.VMEM((_IPW,), jnp.int32),
        pltpu.VMEM((_IPW,), jnp.int32),
        pltpu.VMEM((_IPW,), jnp.int32),
        pltpu.VMEM((2 * _PPW,), jnp.int32),
        pltpu.VMEM((_PPW,), jnp.int32),
        pltpu.VMEM((_PPW,), jnp.int32),
        pltpu.VMEM((81, _ROW), jnp.float32),
        pltpu.VMEM_SHARED((_NS * 81, _ROW), jnp.float32),
        pltpu.VMEM((_CH,), jnp.int32),
        pltpu.VMEM((_CH, _ROW), jnp.float32),
        pltpu.VMEM((_CH, _ROW), jnp.float32),
        pltpu.SemaphoreType.DMA,
        pltpu.SemaphoreType.DMA,
        pltpu.SemaphoreType.DMA,
    ],
    compiler_params=pltpu.CompilerParams(
        needs_layout_passes=False, disable_bounds_checks=True
    ),
)



def _tc_body(pidx_ref, ptab_ref, alias_ref, top_ref, out_ref):
    del alias_ref, top_ref
    i81 = lax.broadcasted_iota(jnp.int32, (81, 128), 0)
    ohts = []
    for r in range(_TCB // 128):
        pr = pidx_ref[r : r + 1, :]
        ohts.append((pr == i81).astype(jnp.float32))
    oht = jnp.concatenate(ohts, axis=1)
    out_ref[...] = lax.dot_general(
        oht, ptab_ref[...], (((0,), (0,)), ((), ())),
        preferred_element_type=jnp.float32,
    )


_tc_expand = pl.pallas_call(
    _tc_body,
    grid=(_TCG,),
    in_specs=[
        pl.BlockSpec((_TCB // 128, 128), lambda b: (b, 0)),
        pl.BlockSpec((81, _ROW), lambda b: (0, 0)),
        pl.BlockSpec(memory_space=pltpu.HBM),
        pl.BlockSpec(memory_space=pltpu.HBM),
    ],
    out_specs=pl.BlockSpec((_TCB, _ROW), lambda b: (b, 0)),
    out_shape=jax.ShapeDtypeStruct((_TP, _ROW), jnp.float32),
    input_output_aliases={2: 0},
)


@jax.jit
def kernel(top_indices, distance_emb):
    emb = distance_emb.astype(jnp.float32)
    ptab = jnp.concatenate(
        [
            jnp.broadcast_to(emb[:, None, :], (9, 9, _EMB)),
            jnp.broadcast_to(emb[None, :, :], (9, 9, _EMB)),
        ],
        axis=-1,
    ).reshape(81, _ROW)
    top_flat = top_indices.reshape(-1).astype(jnp.int32)
    out_sc, pidx = _sc_lookup(
        top_flat, jnp.asarray(_WEF), jnp.asarray(_WOF), ptab
    )
    out = _tc_expand(pidx.reshape(_TP // 128, 128), ptab, out_sc, top_flat)
    return out.reshape(_NWORDS, _K, _EMB)

# --- scband reference (transcript-rebuilt; emitter-appended) ---
"""Pipeline reference for scband-distance-pairwise-encoder-19868518712028 (READ-ONLY COPY).

The authoritative reference and input builder live on the scoring server;
editing this copy changes nothing except your own understanding.
"""

import jax, jax.numpy as jnp
import numpy as np

N_WORDS = 8192
K = 50
EMB = 64

def setup_inputs(seed: int = 0) -> dict:
    key = jax.random.key(seed)
    top_indices = jax.random.randint(jax.random.fold_in(key, 0), (N_WORDS, K), 0, N_WORDS)
    distance_emb = jax.random.normal(jax.random.fold_in(key, 1), (9, EMB), dtype=jnp.float32) * 0.02
    return {"top_indices": top_indices, "distance_emb": distance_emb}

def reference(top_indices, distance_emb):
    n_words = top_indices.shape[0]
    word_ids = jnp.arange(n_words)
    # distance = (word_ids.unsqueeze(1) - word_ids[top_indices]).clamp_min_(1)
    distance = jnp.maximum(word_ids[:, None] - jnp.take(word_ids, top_indices), 1)
    log_distance = jnp.floor(jnp.log2(distance.astype(jnp.float32)))
    log_distance = jnp.minimum(log_distance, 6.0).astype(jnp.int32)
    bucket = jnp.where(distance < 5, distance - 1, log_distance + 2)
    # embedding lookup into 9-row table; dropout is identity at inference
    out = jnp.take(distance_emb, bucket, axis=0)
    return out

if __name__ == "__main__":
    import jax
    _d = setup_inputs()
    print(jax.jit(kernel)(*tuple(_d.values())))

</pallas_src>

<mosaic_0001>
#map = affine_map<(d0, d1) -> (0)>
#map1 = affine_map<(d0, d1) -> (0, 0)>
module attributes {stable_mosaic.version = 14 : i64} {
  func.func @_sc_body(%arg0: i32, %arg1: i32, %arg2: memref<409600xi32, #tpu.memory_space<hbm>>, %arg3: memref<204800xi32, #tpu.memory_space<hbm>>, %arg4: memref<204800xi32, #tpu.memory_space<hbm>>, %arg5: memref<81x128xf32, #tpu.memory_space<hbm>>, %arg6: memref<204800x128xf32, #tpu.memory_space<hbm>>, %arg7: memref<204800xi32, #tpu.memory_space<hbm>>, %arg8: memref<12800xi32, #tpu.memory_space<vmem>>, %arg9: memref<6400xi32, #tpu.memory_space<vmem>>, %arg10: memref<6400xi32, #tpu.memory_space<vmem>>, %arg11: memref<6400xi32, #tpu.memory_space<vmem>>, %arg12: memref<1024xi32, #tpu.memory_space<vmem>>, %arg13: memref<512xi32, #tpu.memory_space<vmem>>, %arg14: memref<512xi32, #tpu.memory_space<vmem>>, %arg15: memref<81x128xf32, #tpu.memory_space<vmem>>, %arg16: memref<1296x128xf32, #tpu.memory_space<vmem_shared>>, %arg17: memref<128xi32, #tpu.memory_space<vmem>>, %arg18: memref<128x128xf32, #tpu.memory_space<vmem>>, %arg19: memref<128x128xf32, #tpu.memory_space<vmem>>, %arg20: memref<!tpu.dma_semaphore, #tpu.memory_space<semaphore_mem>>, %arg21: memref<!tpu.dma_semaphore, #tpu.memory_space<semaphore_mem>>, %arg22: memref<!tpu.dma_semaphore, #tpu.memory_space<semaphore_mem>>) attributes {dimension_semantics = [#tpu.dimension_semantics<core_parallel>, #tpu.dimension_semantics<subcore_parallel>], iteration_bounds = array<i64: 2, 16>, scalar_prefetch = 0 : i64, scratch_operands = 15 : i64, tpu.core_type = #tpu.core_type<sc_vector_subcore>, window_params = [{transform_indices = #map}, {transform_indices = #map}, {transform_indices = #map}, {transform_indices = #map1}, {transform_indices = #map1}, {transform_indices = #map}]} {
    %mul3A = arith.constant 2 : i32
    %mul3A_0 = arith.muli %arg1, %mul3A : i32
    %add3A = arith.addi %mul3A_0, %arg0 : i32
    %iota3A = tpu.iota {dimensions = array<i32: 0>} : vector<16xi32>
    %mul3A_1 = arith.constant 2 : i32
    %mul3A_2 = vector.broadcast %mul3A_1 : i32 to vector<16xi32>
    %mul3A_3 = arith.muli %mul3A_2, %iota3A : vector<16xi32>
    %mul3A_4 = arith.constant 6400 : i32
    %mul3A_5 = arith.muli %add3A, %mul3A_4 : i32
    %mul3A_6 = arith.constant 2 : i32
    %mul3A_7 = arith.muli %mul3A_6, %mul3A_5 : i32
    "tpu.region"() ({
      %run_scoped3A = tpu.sem_alloc : memref<!tpu.dma_semaphore, #tpu.memory_space<semaphore_mem>>
      %dma_start3A = tpu.memref_slice %arg2[%mul3A_7] : memref<409600xi32, #tpu.memory_space<hbm>> -> memref<12800xi32, #tpu.memory_space<hbm>>
      %dma_start3A_40 = tpu.memref_slice %arg2[%mul3A_7] : memref<409600xi32, #tpu.memory_space<hbm>> -> memref<12800xi32, #tpu.memory_space<hbm>>
      tpu.enqueue_dma source(%dma_start3A_40 : memref<12800xi32, #tpu.memory_space<hbm>>) target(%arg8 : memref<12800xi32, #tpu.memory_space<vmem>>) target_semaphore(%run_scoped3A : memref<!tpu.dma_semaphore, #tpu.memory_space<semaphore_mem>>)
      %dma_wait3A_41 = tpu.memref_slice %arg2[%mul3A_7] : memref<409600xi32, #tpu.memory_space<hbm>> -> memref<12800xi32, #tpu.memory_space<hbm>>
      %dma_wait3A_42 = tpu.memref_slice %arg2[%mul3A_7] : memref<409600xi32, #tpu.memory_space<hbm>> -> memref<12800xi32, #tpu.memory_space<hbm>>
      tpu.wait_dma2 semaphore(%run_scoped3A : memref<!tpu.dma_semaphore, #tpu.memory_space<semaphore_mem>>) src(%dma_wait3A_42 : memref<12800xi32, #tpu.memory_space<hbm>>) dst(%arg8 : memref<12800xi32, #tpu.memory_space<vmem>>)
      tpu.yield
    }) : () -> ()
    "tpu.region"() ({
      %run_scoped3A = tpu.sem_alloc : memref<!tpu.dma_semaphore, #tpu.memory_space<semaphore_mem>>
      %dma_start3A = tpu.memref_slice %arg3[%mul3A_5] : memref<204800xi32, #tpu.memory_space<hbm>> -> memref<6400xi32, #tpu.memory_space<hbm>>
      %dma_start3A_40 = tpu.memref_slice %arg3[%mul3A_5] : memref<204800xi32, #tpu.memory_space<hbm>> -> memref<6400xi32, #tpu.memory_space<hbm>>
      tpu.enqueue_dma source(%dma_start3A_40 : memref<6400xi32, #tpu.memory_space<hbm>>) target(%arg9 : memref<6400xi32, #tpu.memory_space<vmem>>) target_semaphore(%run_scoped3A : memref<!tpu.dma_semaphore, #tpu.memory_space<semaphore_mem>>)
      %dma_wait3A_41 = tpu.memref_slice %arg3[%mul3A_5] : memref<204800xi32, #tpu.memory_space<hbm>> -> memref<6400xi32, #tpu.memory_space<hbm>>
      %dma_wait3A_42 = tpu.memref_slice %arg3[%mul3A_5] : memref<204800xi32, #tpu.memory_space<hbm>> -> memref<6400xi32, #tpu.memory_space<hbm>>
      tpu.wait_dma2 semaphore(%run_scoped3A : memref<!tpu.dma_semaphore, #tpu.memory_space<semaphore_mem>>) src(%dma_wait3A_42 : memref<6400xi32, #tpu.memory_space<hbm>>) dst(%arg9 : memref<6400xi32, #tpu.memory_space<vmem>>)
      tpu.yield
    }) : () -> ()
    "tpu.region"() ({
      %run_scoped3A = tpu.sem_alloc : memref<!tpu.dma_semaphore, #tpu.memory_space<semaphore_mem>>
      %dma_start3A = tpu.memref_slice %arg4[%mul3A_5] : memref<204800xi32, #tpu.memory_space<hbm>> -> memref<6400xi32, #tpu.memory_space<hbm>>
      %dma_start3A_40 = tpu.memref_slice %arg4[%mul3A_5] : memref<204800xi32, #tpu.memory_space<hbm>> -> memref<6400xi32, #tpu.memory_space<hbm>>
      tpu.enqueue_dma source(%dma_start3A_40 : memref<6400xi32, #tpu.memory_space<hbm>>) target(%arg10 : memref<6400xi32, #tpu.memory_space<vmem>>) target_semaphore(%run_scoped3A : memref<!tpu.dma_semaphore, #tpu.memory_space<semaphore_mem>>)
      %dma_wait3A_41 = tpu.memref_slice %arg4[%mul3A_5] : memref<204800xi32, #tpu.memory_space<hbm>> -> memref<6400xi32, #tpu.memory_space<hbm>>
      %dma_wait3A_42 = tpu.memref_slice %arg4[%mul3A_5] : memref<204800xi32, #tpu.memory_space<hbm>> -> memref<6400xi32, #tpu.memory_space<hbm>>
      tpu.wait_dma2 semaphore(%run_scoped3A : memref<!tpu.dma_semaphore, #tpu.memory_space<semaphore_mem>>) src(%dma_wait3A_42 : memref<6400xi32, #tpu.memory_space<hbm>>) dst(%arg10 : memref<6400xi32, #tpu.memory_space<vmem>>)
      tpu.yield
    }) : () -> ()
    %scan3A = arith.constant 0 : i32
    %scan3A_8 = arith.constant 0 : i32
    %scan3A_9 = arith.constant 400 : i32
    %scan3A_10 = arith.addi %scan3A_8, %scan3A_9 : i32
    %scan3A_11 = arith.constant 1 : i32
    scf.for %scan3A_40 = %scan3A_8 to %scan3A_10 step %scan3A_11  : i32 {
      %mul3A_41 = arith.constant 16 : i32
      %mul3A_42 = arith.muli %scan3A_40, %mul3A_41 : i32
      %mul3A_43 = arith.constant 2 : i32
      %mul3A_44 = arith.muli %mul3A_43, %mul3A_42 : i32
      %add3A_45 = vector.broadcast %mul3A_44 : i32 to vector<16xi32>
      %add3A_46 = arith.addi %add3A_45, %mul3A_3 : vector<16xi32>
      %gather3A = tpu.vector_load_idx %arg8[%add3A_46] : memref<12800xi32, #tpu.memory_space<vmem>>[vector<16xi32>], vector<16xi32>,
      %mul3A_47 = arith.constant 2 : i32
      %mul3A_48 = arith.muli %mul3A_47, %mul3A_42 : i32
      %add3A_49 = vector.broadcast %mul3A_48 : i32 to vector<16xi32>
      %add3A_50 = arith.addi %add3A_49, %mul3A_3 : vector<16xi32>
      %add3A_51 = arith.constant 1 : i32
      %add3A_52 = vector.broadcast %add3A_51 : i32 to vector<16xi32>
      %add3A_53 = arith.addi %add3A_50, %add3A_52 : vector<16xi32>
      %gather3A_54 = tpu.vector_load_idx %arg8[%add3A_53] : memref<12800xi32, #tpu.memory_space<vmem>>[vector<16xi32>], vector<16xi32>,
      %get3A = arith.index_cast %mul3A_42 : i32 to index
      %get3A_55 = tpu.vector_load %arg9[%get3A] {strides = array<i32>} : memref<6400xi32, #tpu.memory_space<vmem>>, vector<16xi32>,
      %get3A_56 = arith.index_cast %mul3A_42 : i32 to index
      %get3A_57 = tpu.vector_load %arg10[%get3A_56] {strides = array<i32>} : memref<6400xi32, #tpu.memory_space<vmem>>, vector<16xi32>,
      %sub3A = arith.subi %get3A_55, %gather3A : vector<16xi32>
      %max3A = arith.constant 1 : i32
      %max3A_58 = vector.broadcast %max3A : i32 to vector<16xi32>
      %max3A_59 = arith.maxsi %sub3A, %max3A_58 : vector<16xi32>
      %ge3A = arith.constant 8 : i32
      %ge3A_60 = vector.broadcast %ge3A : i32 to vector<16xi32>
      %ge3A_61 = arith.cmpi sge, %max3A_59, %ge3A_60 : vector<16xi32>
      %jit3A = arith.constant 1 : i32
      %jit3A_62 = arith.constant 0 : i32
      %broadcast_in_dim3A = vector.broadcast %jit3A : i32 to vector<16xi32>
      %broadcast_in_dim3A_63 = vector.broadcast %jit3A_62 : i32 to vector<16xi32>
      %select_n3A = arith.select %ge3A_61, %broadcast_in_dim3A, %broadcast_in_dim3A_63 : vector<16xi1>, vector<16xi32>
      %add3A_64 = arith.constant 4 : i32
      %add3A_65 = vector.broadcast %add3A_64 : i32 to vector<16xi32>
      %add3A_66 = arith.addi %add3A_65, %select_n3A : vector<16xi32>
      %ge3A_67 = arith.constant 16 : i32
      %ge3A_68 = vector.broadcast %ge3A_67 : i32 to vector<16xi32>
      %ge3A_69 = arith.cmpi sge, %max3A_59, %ge3A_68 : vector<16xi32>
      %jit3A_70 = arith.constant 1 : i32
      %jit3A_71 = arith.constant 0 : i32
      %broadcast_in_dim3A_72 = vector.broadcast %jit3A_70 : i32 to vector<16xi32>
      %broadcast_in_dim3A_73 = vector.broadcast %jit3A_71 : i32 to vector<16xi32>
      %select_n3A_74 = arith.select %ge3A_69, %broadcast_in_dim3A_72, %broadcast_in_dim3A_73 : vector<16xi1>, vector<16xi32>
      %add3A_75 = arith.addi %add3A_66, %select_n3A_74 : vector<16xi32>
      %ge3A_76 = arith.constant 32 : i32
      %ge3A_77 = vector.broadcast %ge3A_76 : i32 to vector<16xi32>
      %ge3A_78 = arith.cmpi sge, %max3A_59, %ge3A_77 : vector<16xi32>
      %jit3A_79 = arith.constant 1 : i32
      %jit3A_80 = arith.constant 0 : i32
      %broadcast_in_dim3A_81 = vector.broadcast %jit3A_79 : i32 to vector<16xi32>
      %broadcast_in_dim3A_82 = vector.broadcast %jit3A_80 : i32 to vector<16xi32>
      %select_n3A_83 = arith.select %ge3A_78, %broadcast_in_dim3A_81, %broadcast_in_dim3A_82 : vector<16xi1>, vector<16xi32>
      %add3A_84 = arith.addi %add3A_75, %select_n3A_83 : vector<16xi32>
      %ge3A_85 = arith.constant 64 : i32
      %ge3A_86 = vector.broadcast %ge3A_85 : i32 to vector<16xi32>
      %ge3A_87 = arith.cmpi sge, %max3A_59, %ge3A_86 : vector<16xi32>
      %jit3A_88 = arith.constant 1 : i32
      %jit3A_89 = arith.constant 0 : i32
      %broadcast_in_dim3A_90 = vector.broadcast %jit3A_88 : i32 to vector<16xi32>
      %broadcast_in_dim3A_91 = vector.broadcast %jit3A_89 : i32 to vector<16xi32>
      %select_n3A_92 = arith.select %ge3A_87, %broadcast_in_dim3A_90, %broadcast_in_dim3A_91 : vector<16xi1>, vector<16xi32>
      %add3A_93 = arith.addi %add3A_84, %select_n3A_92 : vector<16xi32>
      %lt3A = arith.constant 5 : i32
      %lt3A_94 = vector.broadcast %lt3A : i32 to vector<16xi32>
      %lt3A_95 = arith.cmpi slt, %max3A_59, %lt3A_94 : vector<16xi32>
      %sub3A_96 = arith.constant 1 : i32
      %sub3A_97 = vector.broadcast %sub3A_96 : i32 to vector<16xi32>
      %sub3A_98 = arith.subi %max3A_59, %sub3A_97 : vector<16xi32>
      %select_n3A_99 = arith.select %lt3A_95, %sub3A_98, %add3A_93 : vector<16xi1>, vector<16xi32>
      %mul3A_100 = arith.constant 9 : i32
      %mul3A_101 = vector.broadcast %mul3A_100 : i32 to vector<16xi32>
      %mul3A_102 = arith.muli %select_n3A_99, %mul3A_101 : vector<16xi32>
      %sub3A_103 = arith.subi %get3A_57, %gather3A_54 : vector<16xi32>
      %max3A_104 = arith.constant 1 : i32
      %max3A_105 = vector.broadcast %max3A_104 : i32 to vector<16xi32>
      %max3A_106 = arith.maxsi %sub3A_103, %max3A_105 : vector<16xi32>
      %ge3A_107 = arith.constant 8 : i32
      %ge3A_108 = vector.broadcast %ge3A_107 : i32 to vector<16xi32>
      %ge3A_109 = arith.cmpi sge, %max3A_106, %ge3A_108 : vector<16xi32>
      %jit3A_110 = arith.constant 1 : i32
      %jit3A_111 = arith.constant 0 : i32
      %broadcast_in_dim3A_112 = vector.broadcast %jit3A_110 : i32 to vector<16xi32>
      %broadcast_in_dim3A_113 = vector.broadcast %jit3A_111 : i32 to vector<16xi32>
      %select_n3A_114 = arith.select %ge3A_109, %broadcast_in_dim3A_112, %broadcast_in_dim3A_113 : vector<16xi1>, vector<16xi32>
      %add3A_115 = arith.constant 4 : i32
      %add3A_116 = vector.broadcast %add3A_115 : i32 to vector<16xi32>
      %add3A_117 = arith.addi %add3A_116, %select_n3A_114 : vector<16xi32>
      %ge3A_118 = arith.constant 16 : i32
      %ge3A_119 = vector.broadcast %ge3A_118 : i32 to vector<16xi32>
      %ge3A_120 = arith.cmpi sge, %max3A_106, %ge3A_119 : vector<16xi32>
      %jit3A_121 = arith.constant 1 : i32
      %jit3A_122 = arith.constant 0 : i32
      %broadcast_in_dim3A_123 = vector.broadcast %jit3A_121 : i32 to vector<16xi32>
      %broadcast_in_dim3A_124 = vector.broadcast %jit3A_122 : i32 to vector<16xi32>
      %select_n3A_125 = arith.select %ge3A_120, %broadcast_in_dim3A_123, %broadcast_in_dim3A_124 : vector<16xi1>, vector<16xi32>
      %add3A_126 = arith.addi %add3A_117, %select_n3A_125 : vector<16xi32>
      %ge3A_127 = arith.constant 32 : i32
      %ge3A_128 = vector.broadcast %ge3A_127 : i32 to vector<16xi32>
      %ge3A_129 = arith.cmpi sge, %max3A_106, %ge3A_128 : vector<16xi32>
      %jit3A_130 = arith.constant 1 : i32
      %jit3A_131 = arith.constant 0 : i32
      %broadcast_in_dim3A_132 = vector.broadcast %jit3A_130 : i32 to vector<16xi32>
      %broadcast_in_dim3A_133 = vector.broadcast %jit3A_131 : i32 to vector<16xi32>
      %select_n3A_134 = arith.select %ge3A_129, %broadcast_in_dim3A_132, %broadcast_in_dim3A_133 : vector<16xi1>, vector<16xi32>
      %add3A_135 = arith.addi %add3A_126, %select_n3A_134 : vector<16xi32>
      %ge3A_136 = arith.constant 64 : i32
      %ge3A_137 = vector.broadcast %ge3A_136 : i32 to vector<16xi32>
      %ge3A_138 = arith.cmpi sge, %max3A_106, %ge3A_137 : vector<16xi32>
      %jit3A_139 = arith.constant 1 : i32
      %jit3A_140 = arith.constant 0 : i32
      %broadcast_in_dim3A_141 = vector.broadcast %jit3A_139 : i32 to vector<16xi32>
      %broadcast_in_dim3A_142 = vector.broadcast %jit3A_140 : i32 to vector<16xi32>
      %select_n3A_143 = arith.select %ge3A_138, %broadcast_in_dim3A_141, %broadcast_in_dim3A_142 : vector<16xi1>, vector<16xi32>
      %add3A_144 = arith.addi %add3A_135, %select_n3A_143 : vector<16xi32>
      %lt3A_145 = arith.constant 5 : i32
      %lt3A_146 = vector.broadcast %lt3A_145 : i32 to vector<16xi32>
      %lt3A_147 = arith.cmpi slt, %max3A_106, %lt3A_146 : vector<16xi32>
      %sub3A_148 = arith.constant 1 : i32
      %sub3A_149 = vector.broadcast %sub3A_148 : i32 to vector<16xi32>
      %sub3A_150 = arith.subi %max3A_106, %sub3A_149 : vector<16xi32>
      %select_n3A_151 = arith.select %lt3A_147, %sub3A_150, %add3A_144 : vector<16xi1>, vector<16xi32>
      %add3A_152 = arith.addi %mul3A_102, %select_n3A_151 : vector<16xi32>
      %swap3A = arith.index_cast %mul3A_42 : i32 to index
      %swap3A_153 = tpu.vector_load %arg11[%swap3A] {strides = array<i32>} : memref<6400xi32, #tpu.memory_space<vmem>>, vector<16xi32>,
      tpu.vector_store %arg11[%swap3A], %add3A_152 {strides = array<i32>} : memref<6400xi32, #tpu.memory_space<vmem>>, vector<16xi32>,
    }
    %scan3A_12 = arith.constant 400 : i32
    "tpu.region"() ({
      %run_scoped3A = tpu.sem_alloc : memref<!tpu.dma_semaphore, #tpu.memory_space<semaphore_mem>>
      %dma_start3A = tpu.memref_slice %arg7[%mul3A_5] : memref<204800xi32, #tpu.memory_space<hbm>> -> memref<6400xi32, #tpu.memory_space<hbm>>
      %dma_start3A_40 = tpu.memref_slice %arg7[%mul3A_5] : memref<204800xi32, #tpu.memory_space<hbm>> -> memref<6400xi32, #tpu.memory_space<hbm>>
      tpu.enqueue_dma source(%arg11 : memref<6400xi32, #tpu.memory_space<vmem>>) target(%dma_start3A_40 : memref<6400xi32, #tpu.memory_space<hbm>>) target_semaphore(%run_scoped3A : memref<!tpu.dma_semaphore, #tpu.memory_space<semaphore_mem>>)
      %dma_wait3A_41 = tpu.memref_slice %arg7[%mul3A_5] : memref<204800xi32, #tpu.memory_space<hbm>> -> memref<6400xi32, #tpu.memory_space<hbm>>
      %dma_wait3A_42 = tpu.memref_slice %arg7[%mul3A_5] : memref<204800xi32, #tpu.memory_space<hbm>> -> memref<6400xi32, #tpu.memory_space<hbm>>
      tpu.wait_dma2 semaphore(%run_scoped3A : memref<!tpu.dma_semaphore, #tpu.memory_space<semaphore_mem>>) src(%arg11 : memref<6400xi32, #tpu.memory_space<vmem>>) dst(%dma_wait3A_42 : memref<6400xi32, #tpu.memory_space<hbm>>)
      tpu.yield
    }) : () -> ()
    %mul3A_13 = arith.constant 512 : i32
    %mul3A_14 = arith.muli %add3A, %mul3A_13 : i32
    %add3A_15 = arith.constant 188416 : i32
    %add3A_16 = arith.addi %add3A_15, %mul3A_14 : i32
    %mul3A_17 = arith.constant 2 : i32
    %mul3A_18 = arith.muli %mul3A_17, %add3A_16 : i32
    "tpu.region"() ({
      %run_scoped3A = tpu.sem_alloc : memref<!tpu.dma_semaphore, #tpu.memory_space<semaphore_mem>>
      %dma_start3A = tpu.memref_slice %arg2[%mul3A_18] : memref<409600xi32, #tpu.memory_space<hbm>> -> memref<1024xi32, #tpu.memory_space<hbm>>
      %dma_start3A_40 = tpu.memref_slice %arg2[%mul3A_18] : memref<409600xi32, #tpu.memory_space<hbm>> -> memref<1024xi32, #tpu.memory_space<hbm>>
      tpu.enqueue_dma source(%dma_start3A_40 : memref<1024xi32, #tpu.memory_space<hbm>>) target(%arg12 : memref<1024xi32, #tpu.memory_space<vmem>>) target_semaphore(%run_scoped3A : memref<!tpu.dma_semaphore, #tpu.memory_space<semaphore_mem>>)
      %dma_wait3A_41 = tpu.memref_slice %arg2[%mul3A_18] : memref<409600xi32, #tpu.memory_space<hbm>> -> memref<1024xi32, #tpu.memory_space<hbm>>
      %dma_wait3A_42 = tpu.memref_slice %arg2[%mul3A_18] : memref<409600xi32, #tpu.memory_space<hbm>> -> memref<1024xi32, #tpu.memory_space<hbm>>
      tpu.wait_dma2 semaphore(%run_scoped3A : memref<!tpu.dma_semaphore, #tpu.memory_space<semaphore_mem>>) src(%dma_wait3A_42 : memref<1024xi32, #tpu.memory_space<hbm>>) dst(%arg12 : memref<1024xi32, #tpu.memory_space<vmem>>)
      tpu.yield
    }) : () -> ()
    "tpu.region"() ({
      %run_scoped3A = tpu.sem_alloc : memref<!tpu.dma_semaphore, #tpu.memory_space<semaphore_mem>>
      %dma_start3A = tpu.memref_slice %arg3[%add3A_16] : memref<204800xi32, #tpu.memory_space<hbm>> -> memref<512xi32, #tpu.memory_space<hbm>>
      %dma_start3A_40 = tpu.memref_slice %arg3[%add3A_16] : memref<204800xi32, #tpu.memory_space<hbm>> -> memref<512xi32, #tpu.memory_space<hbm>>
      tpu.enqueue_dma source(%dma_start3A_40 : memref<512xi32, #tpu.memory_space<hbm>>) target(%arg13 : memref<512xi32, #tpu.memory_space<vmem>>) target_semaphore(%run_scoped3A : memref<!tpu.dma_semaphore, #tpu.memory_space<semaphore_mem>>)
      %dma_wait3A_41 = tpu.memref_slice %arg3[%add3A_16] : memref<204800xi32, #tpu.memory_space<hbm>> -> memref<512xi32, #tpu.memory_space<hbm>>
      %dma_wait3A_42 = tpu.memref_slice %arg3[%add3A_16] : memref<204800xi32, #tpu.memory_space<hbm>> -> memref<512xi32, #tpu.memory_space<hbm>>
      tpu.wait_dma2 semaphore(%run_scoped3A : memref<!tpu.dma_semaphore, #tpu.memory_space<semaphore_mem>>) src(%dma_wait3A_42 : memref<512xi32, #tpu.memory_space<hbm>>) dst(%arg13 : memref<512xi32, #tpu.memory_space<vmem>>)
      tpu.yield
    }) : () -> ()
    "tpu.region"() ({
      %run_scoped3A = tpu.sem_alloc : memref<!tpu.dma_semaphore, #tpu.memory_space<semaphore_mem>>
      %dma_start3A = tpu.memref_slice %arg4[%add3A_16] : memref<204800xi32, #tpu.memory_space<hbm>> -> memref<512xi32, #tpu.memory_space<hbm>>
      %dma_start3A_40 = tpu.memref_slice %arg4[%add3A_16] : memref<204800xi32, #tpu.memory_space<hbm>> -> memref<512xi32, #tpu.memory_space<hbm>>
      tpu.enqueue_dma source(%dma_start3A_40 : memref<512xi32, #tpu.memory_space<hbm>>) target(%arg14 : memref<512xi32, #tpu.memory_space<vmem>>) target_semaphore(%run_scoped3A : memref<!tpu.dma_semaphore, #tpu.memory_space<semaphore_mem>>)
      %dma_wait3A_41 = tpu.memref_slice %arg4[%add3A_16] : memref<204800xi32, #tpu.memory_space<hbm>> -> memref<512xi32, #tpu.memory_space<hbm>>
      %dma_wait3A_42 = tpu.memref_slice %arg4[%add3A_16] : memref<204800xi32, #tpu.memory_space<hbm>> -> memref<512xi32, #tpu.memory_space<hbm>>
      tpu.wait_dma2 semaphore(%run_scoped3A : memref<!tpu.dma_semaphore, #tpu.memory_space<semaphore_mem>>) src(%dma_wait3A_42 : memref<512xi32, #tpu.memory_space<hbm>>) dst(%arg14 : memref<512xi32, #tpu.memory_space<vmem>>)
      tpu.yield
    }) : () -> ()
    "tpu.region"() ({
      %run_scoped3A = tpu.sem_alloc : memref<!tpu.dma_semaphore, #tpu.memory_space<semaphore_mem>>
      tpu.enqueue_dma source(%arg5 : memref<81x128xf32, #tpu.memory_space<hbm>>) target(%arg15 : memref<81x128xf32, #tpu.memory_space<vmem>>) target_semaphore(%run_scoped3A : memref<!tpu.dma_semaphore, #tpu.memory_space<semaphore_mem>>)
      tpu.wait_dma2 semaphore(%run_scoped3A : memref<!tpu.dma_semaphore, #tpu.memory_space<semaphore_mem>>) src(%arg5 : memref<81x128xf32, #tpu.memory_space<hbm>>) dst(%arg15 : memref<81x128xf32, #tpu.memory_space<vmem>>)
      tpu.yield
    }) : () -> ()
    %mul3A_19 = arith.constant 81 : i32
    %mul3A_20 = arith.muli %arg1, %mul3A_19 : i32
    "tpu.region"() ({
      %run_scoped3A = tpu.sem_alloc : memref<!tpu.dma_semaphore, #tpu.memory_space<semaphore_mem>>
      %dma_start3A = arith.constant 0 : i32
      %dma_start3A_40 = tpu.memref_slice %arg16[%mul3A_20, %dma_start3A] : memref<1296x128xf32, #tpu.memory_space<vmem_shared>> -> memref<81x128xf32, #tpu.memory_space<vmem_shared>>
      tpu.enqueue_dma source(%arg5 : memref<81x128xf32, #tpu.memory_space<hbm>>) target(%dma_start3A_40 : memref<81x128xf32, #tpu.memory_space<vmem_shared>>) target_semaphore(%run_scoped3A : memref<!tpu.dma_semaphore, #tpu.memory_space<semaphore_mem>>)
      %dma_wait3A_41 = arith.constant 0 : i32
      %dma_wait3A_42 = tpu.memref_slice %arg16[%mul3A_20, %dma_wait3A_41] : memref<1296x128xf32, #tpu.memory_space<vmem_shared>> -> memref<81x128xf32, #tpu.memory_space<vmem_shared>>
      tpu.wait_dma2 semaphore(%run_scoped3A : memref<!tpu.dma_semaphore, #tpu.memory_space<semaphore_mem>>) src(%arg5 : memref<81x128xf32, #tpu.memory_space<hbm>>) dst(%dma_wait3A_42 : memref<81x128xf32, #tpu.memory_space<vmem_shared>>)
      tpu.yield
    }) : () -> ()
    %mul3A_21 = arith.constant 81 : i32
    %mul3A_22 = arith.muli %arg1, %mul3A_21 : i32
    %scan3A_23 = arith.constant 0 : i32
    %scan3A_24 = arith.constant 0 : i32
    %scan3A_25 = arith.constant 2 : i32
    %scan3A_26 = arith.addi %scan3A_24, %scan3A_25 : i32
    %scan3A_27 = arith.constant 1 : i32
    scf.for %scan3A_40 = %scan3A_24 to %scan3A_26 step %scan3A_27  : i32 {
      %mul3A_41 = arith.constant 2 : i32
      %mul3A_42 = arith.muli %mul3A_41, %scan3A_40 : i32
      %mul3A_43 = arith.constant 2 : i32
      %mul3A_44 = arith.muli %mul3A_43, %scan3A_40 : i32
      %add3A_45 = arith.constant 1 : i32
      %add3A_46 = arith.addi %mul3A_44, %add3A_45 : i32
      %mul3A_47 = arith.constant 128 : i32
      %mul3A_48 = arith.muli %mul3A_42, %mul3A_47 : i32
      %add3A_49 = arith.constant 0 : i32
      %add3A_50 = arith.addi %mul3A_48, %add3A_49 : i32
      %mul3A_51 = arith.constant 2 : i32
      %mul3A_52 = arith.muli %mul3A_51, %add3A_50 : i32
      %add3A_53 = vector.broadcast %mul3A_52 : i32 to vector<16xi32>
      %add3A_54 = arith.addi %add3A_53, %mul3A_3 : vector<16xi32>
      %gather3A = tpu.vector_load_idx %arg12[%add3A_54] : memref<1024xi32, #tpu.memory_space<vmem>>[vector<16xi32>], vector<16xi32>,
      %mul3A_55 = arith.constant 2 : i32
      %mul3A_56 = arith.muli %mul3A_55, %add3A_50 : i32
      %add3A_57 = vector.broadcast %mul3A_56 : i32 to vector<16xi32>
      %add3A_58 = arith.addi %add3A_57, %mul3A_3 : vector<16xi32>
      %add3A_59 = arith.constant 1 : i32
      %add3A_60 = vector.broadcast %add3A_59 : i32 to vector<16xi32>
      %add3A_61 = arith.addi %add3A_58, %add3A_60 : vector<16xi32>
      %gather3A_62 = tpu.vector_load_idx %arg12[%add3A_61] : memref<1024xi32, #tpu.memory_space<vmem>>[vector<16xi32>], vector<16xi32>,
      %get3A = arith.index_cast %add3A_50 : i32 to index
      %get3A_63 = tpu.vector_load %arg13[%get3A] {strides = array<i32>} : memref<512xi32, #tpu.memory_space<vmem>>, vector<16xi32>,
      %get3A_64 = arith.index_cast %add3A_50 : i32 to index
      %get3A_65 = tpu.vector_load %arg14[%get3A_64] {strides = array<i32>} : memref<512xi32, #tpu.memory_space<vmem>>, vector<16xi32>,
      %sub3A = arith.subi %get3A_63, %gather3A : vector<16xi32>
      %max3A = arith.constant 1 : i32
      %max3A_66 = vector.broadcast %max3A : i32 to vector<16xi32>
      %max3A_67 = arith.maxsi %sub3A, %max3A_66 : vector<16xi32>
      %ge3A = arith.constant 8 : i32
      %ge3A_68 = vector.broadcast %ge3A : i32 to vector<16xi32>
      %ge3A_69 = arith.cmpi sge, %max3A_67, %ge3A_68 : vector<16xi32>
      %jit3A = arith.constant 1 : i32
      %jit3A_70 = arith.constant 0 : i32
      %broadcast_in_dim3A = vector.broadcast %jit3A : i32 to vector<16xi32>
      %broadcast_in_dim3A_71 = vector.broadcast %jit3A_70 : i32 to vector<16xi32>
      %select_n3A = arith.select %ge3A_69, %broadcast_in_dim3A, %broadcast_in_dim3A_71 : vector<16xi1>, vector<16xi32>
      %add3A_72 = arith.constant 4 : i32
      %add3A_73 = vector.broadcast %add3A_72 : i32 to vector<16xi32>
      %add3A_74 = arith.addi %add3A_73, %select_n3A : vector<16xi32>
      %ge3A_75 = arith.constant 16 : i32
      %ge3A_76 = vector.broadcast %ge3A_75 : i32 to vector<16xi32>
      %ge3A_77 = arith.cmpi sge, %max3A_67, %ge3A_76 : vector<16xi32>
      %jit3A_78 = arith.constant 1 : i32
      %jit3A_79 = arith.constant 0 : i32
      %broadcast_in_dim3A_80 = vector.broadcast %jit3A_78 : i32 to vector<16xi32>
      %broadcast_in_dim3A_81 = vector.broadcast %jit3A_79 : i32 to vector<16xi32>
      %select_n3A_82 = arith.select %ge3A_77, %broadcast_in_dim3A_80, %broadcast_in_dim3A_81 : vector<16xi1>, vector<16xi32>
      %add3A_83 = arith.addi %add3A_74, %select_n3A_82 : vector<16xi32>
      %ge3A_84 = arith.constant 32 : i32
      %ge3A_85 = vector.broadcast %ge3A_84 : i32 to vector<16xi32>
      %ge3A_86 = arith.cmpi sge, %max3A_67, %ge3A_85 : vector<16xi32>
      %jit3A_87 = arith.constant 1 : i32
      %jit3A_88 = arith.constant 0 : i32
      %broadcast_in_dim3A_89 = vector.broadcast %jit3A_87 : i32 to vector<16xi32>
      %broadcast_in_dim3A_90 = vector.broadcast %jit3A_88 : i32 to vector<16xi32>
      %select_n3A_91 = arith.select %ge3A_86, %broadcast_in_dim3A_89, %broadcast_in_dim3A_90 : vector<16xi1>, vector<16xi32>
      %add3A_92 = arith.addi %add3A_83, %select_n3A_91 : vector<16xi32>
      %ge3A_93 = arith.constant 64 : i32
      %ge3A_94 = vector.broadcast %ge3A_93 : i32 to vector<16xi32>
      %ge3A_95 = arith.cmpi sge, %max3A_67, %ge3A_94 : vector<16xi32>
      %jit3A_96 = arith.constant 1 : i32
      %jit3A_97 = arith.constant 0 : i32
      %broadcast_in_dim3A_98 = vector.broadcast %jit3A_96 : i32 to vector<16xi32>
      %broadcast_in_dim3A_99 = vector.broadcast %jit3A_97 : i32 to vector<16xi32>
      %select_n3A_100 = arith.select %ge3A_95, %broadcast_in_dim3A_98, %broadcast_in_dim3A_99 : vector<16xi1>, vector<16xi32>
      %add3A_101 = arith.addi %add3A_92, %select_n3A_100 : vector<16xi32>
      %lt3A = arith.constant 5 : i32
      %lt3A_102 = vector.broadcast %lt3A : i32 to vector<16xi32>
      %lt3A_103 = arith.cmpi slt, %max3A_67, %lt3A_102 : vector<16xi32>
      %sub3A_104 = arith.constant 1 : i32
      %sub3A_105 = vector.broadcast %sub3A_104 : i32 to vector<16xi32>
      %sub3A_106 = arith.subi %max3A_67, %sub3A_105 : vector<16xi32>
      %select_n3A_107 = arith.select %lt3A_103, %sub3A_106, %add3A_101 : vector<16xi1>, vector<16xi32>
      %mul3A_108 = arith.constant 9 : i32
      %mul3A_109 = vector.broadcast %mul3A_108 : i32 to vector<16xi32>
      %mul3A_110 = arith.muli %select_n3A_107, %mul3A_109 : vector<16xi32>
      %sub3A_111 = arith.subi %get3A_65, %gather3A_62 : vector<16xi32>
      %max3A_112 = arith.constant 1 : i32
      %max3A_113 = vector.broadcast %max3A_112 : i32 to vector<16xi32>
      %max3A_114 = arith.maxsi %sub3A_111, %max3A_113 : vector<16xi32>
      %ge3A_115 = arith.constant 8 : i32
      %ge3A_116 = vector.broadcast %ge3A_115 : i32 to vector<16xi32>
      %ge3A_117 = arith.cmpi sge, %max3A_114, %ge3A_116 : vector<16xi32>
      %jit3A_118 = arith.constant 1 : i32
      %jit3A_119 = arith.constant 0 : i32
      %broadcast_in_dim3A_120 = vector.broadcast %jit3A_118 : i32 to vector<16xi32>
      %broadcast_in_dim3A_121 = vector.broadcast %jit3A_119 : i32 to vector<16xi32>
      %select_n3A_122 = arith.select %ge3A_117, %broadcast_in_dim3A_120, %broadcast_in_dim3A_121 : vector<16xi1>, vector<16xi32>
      %add3A_123 = arith.constant 4 : i32
      %add3A_124 = vector.broadcast %add3A_123 : i32 to vector<16xi32>
      %add3A_125 = arith.addi %add3A_124, %select_n3A_122 : vector<16xi32>
      %ge3A_126 = arith.constant 16 : i32
      %ge3A_127 = vector.broadcast %ge3A_126 : i32 to vector<16xi32>
      %ge3A_128 = arith.cmpi sge, %max3A_114, %ge3A_127 : vector<16xi32>
      %jit3A_129 = arith.constant 1 : i32
      %jit3A_130 = arith.constant 0 : i32
      %broadcast_in_dim3A_131 = vector.broadcast %jit3A_129 : i32 to vector<16xi32>
      %broadcast_in_dim3A_132 = vector.broadcast %jit3A_130 : i32 to vector<16xi32>
      %select_n3A_133 = arith.select %ge3A_128, %broadcast_in_dim3A_131, %broadcast_in_dim3A_132 : vector<16xi1>, vector<16xi32>
      %add3A_134 = arith.addi %add3A_125, %select_n3A_133 : vector<16xi32>
      %ge3A_135 = arith.constant 32 : i32
      %ge3A_136 = vector.broadcast %ge3A_135 : i32 to vector<16xi32>
      %ge3A_137 = arith.cmpi sge, %max3A_114, %ge3A_136 : vector<16xi32>
      %jit3A_138 = arith.constant 1 : i32
      %jit3A_139 = arith.constant 0 : i32
      %broadcast_in_dim3A_140 = vector.broadcast %jit3A_138 : i32 to vector<16xi32>
      %broadcast_in_dim3A_141 = vector.broadcast %jit3A_139 : i32 to vector<16xi32>
      %select_n3A_142 = arith.select %ge3A_137, %broadcast_in_dim3A_140, %broadcast_in_dim3A_141 : vector<16xi1>, vector<16xi32>
      %add3A_143 = arith.addi %add3A_134, %select_n3A_142 : vector<16xi32>
      %ge3A_144 = arith.constant 64 : i32
      %ge3A_145 = vector.broadcast %ge3A_144 : i32 to vector<16xi32>
      %ge3A_146 = arith.cmpi sge, %max3A_114, %ge3A_145 : vector<16xi32>
      %jit3A_147 = arith.constant 1 : i32
      %jit3A_148 = arith.constant 0 : i32
      %broadcast_in_dim3A_149 = vector.broadcast %jit3A_147 : i32 to vector<16xi32>
      %broadcast_in_dim3A_150 = vector.broadcast %jit3A_148 : i32 to vector<16xi32>
      %select_n3A_151 = arith.select %ge3A_146, %broadcast_in_dim3A_149, %broadcast_in_dim3A_150 : vector<16xi1>, vector<16xi32>
      %add3A_152 = arith.addi %add3A_143, %select_n3A_151 : vector<16xi32>
      %lt3A_153 = arith.constant 5 : i32
      %lt3A_154 = vector.broadcast %lt3A_153 : i32 to vector<16xi32>
      %lt3A_155 = arith.cmpi slt, %max3A_114, %lt3A_154 : vector<16xi32>
      %sub3A_156 = arith.constant 1 : i32
      %sub3A_157 = vector.broadcast %sub3A_156 : i32 to vector<16xi32>
      %sub3A_158 = arith.subi %max3A_114, %sub3A_157 : vector<16xi32>
      %select_n3A_159 = arith.select %lt3A_155, %sub3A_158, %add3A_152 : vector<16xi1>, vector<16xi32>
      %add3A_160 = arith.addi %mul3A_110, %select_n3A_159 : vector<16xi32>
      %add3A_161 = vector.broadcast %mul3A_22 : i32 to vector<16xi32>
      %add3A_162 = arith.addi %add3A_160, %add3A_161 : vector<16xi32>
      %swap3A = arith.constant 0 : index
      %swap3A_163 = tpu.vector_load %arg17[%swap3A] {strides = array<i32>} : memref<128xi32, #tpu.memory_space<vmem>>, vector<16xi32>,
      tpu.vector_store %arg17[%swap3A], %add3A_162 {strides = array<i32>} : memref<128xi32, #tpu.memory_space<vmem>>, vector<16xi32>,
      %mul3A_164 = arith.constant 128 : i32
      %mul3A_165 = arith.muli %mul3A_42, %mul3A_164 : i32
      %add3A_166 = arith.constant 16 : i32
      %add3A_167 = arith.addi %mul3A_165, %add3A_166 : i32
      %mul3A_168 = arith.constant 2 : i32
      %mul3A_169 = arith.muli %mul3A_168, %add3A_167 : i32
      %add3A_170 = vector.broadcast %mul3A_169 : i32 to vector<16xi32>
      %add3A_171 = arith.addi %add3A_170, %mul3A_3 : vector<16xi32>
      %gather3A_172 = tpu.vector_load_idx %arg12[%add3A_171] : memref<1024xi32, #tpu.memory_space<vmem>>[vector<16xi32>], vector<16xi32>,
      %mul3A_173 = arith.constant 2 : i32
      %mul3A_174 = arith.muli %mul3A_173, %add3A_167 : i32
      %add3A_175 = vector.broadcast %mul3A_174 : i32 to vector<16xi32>
      %add3A_176 = arith.addi %add3A_175, %mul3A_3 : vector<16xi32>
      %add3A_177 = arith.constant 1 : i32
      %add3A_178 = vector.broadcast %add3A_177 : i32 to vector<16xi32>
      %add3A_179 = arith.addi %add3A_176, %add3A_178 : vector<16xi32>
      %gather3A_180 = tpu.vector_load_idx %arg12[%add3A_179] : memref<1024xi32, #tpu.memory_space<vmem>>[vector<16xi32>], vector<16xi32>,
      %get3A_181 = arith.index_cast %add3A_167 : i32 to index
      %get3A_182 = tpu.vector_load %arg13[%get3A_181] {strides = array<i32>} : memref<512xi32, #tpu.memory_space<vmem>>, vector<16xi32>,
      %get3A_183 = arith.index_cast %add3A_167 : i32 to index
      %get3A_184 = tpu.vector_load %arg14[%get3A_183] {strides = array<i32>} : memref<512xi32, #tpu.memory_space<vmem>>, vector<16xi32>,
      %sub3A_185 = arith.subi %get3A_182, %gather3A_172 : vector<16xi32>
      %max3A_186 = arith.constant 1 : i32
      %max3A_187 = vector.broadcast %max3A_186 : i32 to vector<16xi32>
      %max3A_188 = arith.maxsi %sub3A_185, %max3A_187 : vector<16xi32>
      %ge3A_189 = arith.constant 8 : i32
      %ge3A_190 = vector.broadcast %ge3A_189 : i32 to vector<16xi32>
      %ge3A_191 = arith.cmpi sge, %max3A_188, %ge3A_190 : vector<16xi32>
      %jit3A_192 = arith.constant 1 : i32
      %jit3A_193 = arith.constant 0 : i32
      %broadcast_in_dim3A_194 = vector.broadcast %jit3A_192 : i32 to vector<16xi32>
      %broadcast_in_dim3A_195 = vector.broadcast %jit3A_193 : i32 to vector<16xi32>
      %select_n3A_196 = arith.select %ge3A_191, %broadcast_in_dim3A_194, %broadcast_in_dim3A_195 : vector<16xi1>, vector<16xi32>
      %add3A_197 = arith.constant 4 : i32
      %add3A_198 = vector.broadcast %add3A_197 : i32 to vector<16xi32>
      %add3A_199 = arith.addi %add3A_198, %select_n3A_196 : vector<16xi32>
      %ge3A_200 = arith.constant 16 : i32
      %ge3A_201 = vector.broadcast %ge3A_200 : i32 to vector<16xi32>
      %ge3A_202 = arith.cmpi sge, %max3A_188, %ge3A_201 : vector<16xi32>
      %jit3A_203 = arith.constant 1 : i32
      %jit3A_204 = arith.constant 0 : i32
      %broadcast_in_dim3A_205 = vector.broadcast %jit3A_203 : i32 to vector<16xi32>
      %broadcast_in_dim3A_206 = vector.broadcast %jit3A_204 : i32 to vector<16xi32>
      %select_n3A_207 = arith.select %ge3A_202, %broadcast_in_dim3A_205, %broadcast_in_dim3A_206 : vector<16xi1>, vector<16xi32>
      %add3A_208 = arith.addi %add3A_199, %select_n3A_207 : vector<16xi32>
      %ge3A_209 = arith.constant 32 : i32
      %ge3A_210 = vector.broadcast %ge3A_209 : i32 to vector<16xi32>
      %ge3A_211 = arith.cmpi sge, %max3A_188, %ge3A_210 : vector<16xi32>
      %jit3A_212 = arith.constant 1 : i32
      %jit3A_213 = arith.constant 0 : i32
      %broadcast_in_dim3A_214 = vector.broadcast %jit3A_212 : i32 to vector<16xi32>
      %broadcast_in_dim3A_215 = vector.broadcast %jit3A_213 : i32 to vector<16xi32>
      %select_n3A_216 = arith.select %ge3A_211, %broadcast_in_dim3A_214, %broadcast_in_dim3A_215 : vector<16xi1>, vector<16xi32>
      %add3A_217 = arith.addi %add3A_208, %select_n3A_216 : vector<16xi32>
      %ge3A_218 = arith.constant 64 : i32
      %ge3A_219 = vector.broadcast %ge3A_218 : i32 to vector<16xi32>
      %ge3A_220 = arith.cmpi sge, %max3A_188, %ge3A_219 : vector<16xi32>
      %jit3A_221 = arith.constant 1 : i32
      %jit3A_222 = arith.constant 0 : i32
      %broadcast_in_dim3A_223 = vector.broadcast %jit3A_221 : i32 to vector<16xi32>
      %broadcast_in_dim3A_224 = vector.broadcast %jit3A_222 : i32 to vector<16xi32>
      %select_n3A_225 = arith.select %ge3A_220, %broadcast_in_dim3A_223, %broadcast_in_dim3A_224 : vector<16xi1>, vector<16xi32>
      %add3A_226 = arith.addi %add3A_217, %select_n3A_225 : vector<16xi32>
      %lt3A_227 = arith.constant 5 : i32
      %lt3A_228 = vector.broadcast %lt3A_227 : i32 to vector<16xi32>
      %lt3A_229 = arith.cmpi slt, %max3A_188, %lt3A_228 : vector<16xi32>
      %sub3A_230 = arith.constant 1 : i32
      %sub3A_231 = vector.broadcast %sub3A_230 : i32 to vector<16xi32>
      %sub3A_232 = arith.subi %max3A_188, %sub3A_231 : vector<16xi32>
      %select_n3A_233 = arith.select %lt3A_229, %sub3A_232, %add3A_226 : vector<16xi1>, vector<16xi32>
      %mul3A_234 = arith.constant 9 : i32
      %mul3A_235 = vector.broadcast %mul3A_234 : i32 to vector<16xi32>
      %mul3A_236 = arith.muli %select_n3A_233, %mul3A_235 : vector<16xi32>
      %sub3A_237 = arith.subi %get3A_184, %gather3A_180 : vector<16xi32>
      %max3A_238 = arith.constant 1 : i32
      %max3A_239 = vector.broadcast %max3A_238 : i32 to vector<16xi32>
      %max3A_240 = arith.maxsi %sub3A_237, %max3A_239 : vector<16xi32>
      %ge3A_241 = arith.constant 8 : i32
      %ge3A_242 = vector.broadcast %ge3A_241 : i32 to vector<16xi32>
      %ge3A_243 = arith.cmpi sge, %max3A_240, %ge3A_242 : vector<16xi32>
      %jit3A_244 = arith.constant 1 : i32
      %jit3A_245 = arith.constant 0 : i32
      %broadcast_in_dim3A_246 = vector.broadcast %jit3A_244 : i32 to vector<16xi32>
      %broadcast_in_dim3A_247 = vector.broadcast %jit3A_245 : i32 to vector<16xi32>
      %select_n3A_248 = arith.select %ge3A_243, %broadcast_in_dim3A_246, %broadcast_in_dim3A_247 : vector<16xi1>, vector<16xi32>
      %add3A_249 = arith.constant 4 : i32
      %add3A_250 = vector.broadcast %add3A_249 : i32 to vector<16xi32>
      %add3A_251 = arith.addi %add3A_250, %select_n3A_248 : vector<16xi32>
      %ge3A_252 = arith.constant 16 : i32
      %ge3A_253 = vector.broadcast %ge3A_252 : i32 to vector<16xi32>
      %ge3A_254 = arith.cmpi sge, %max3A_240, %ge3A_253 : vector<16xi32>
      %jit3A_255 = arith.constant 1 : i32
      %jit3A_256 = arith.constant 0 : i32
      %broadcast_in_dim3A_257 = vector.broadcast %jit3A_255 : i32 to vector<16xi32>
      %broadcast_in_dim3A_258 = vector.broadcast %jit3A_256 : i32 to vector<16xi32>
      %select_n3A_259 = arith.select %ge3A_254, %broadcast_in_dim3A_257, %broadcast_in_dim3A_258 : vector<16xi1>, vector<16xi32>
      %add3A_260 = arith.addi %add3A_251, %select_n3A_259 : vector<16xi32>
      %ge3A_261 = arith.constant 32 : i32
      %ge3A_262 = vector.broadcast %ge3A_261 : i32 to vector<16xi32>
      %ge3A_263 = arith.cmpi sge, %max3A_240, %ge3A_262 : vector<16xi32>
      %jit3A_264 = arith.constant 1 : i32
      %jit3A_265 = arith.constant 0 : i32
      %broadcast_in_dim3A_266 = vector.broadcast %jit3A_264 : i32 to vector<16xi32>
      %broadcast_in_dim3A_267 = vector.broadcast %jit3A_265 : i32 to vector<16xi32>
      %select_n3A_268 = arith.select %ge3A_263, %broadcast_in_dim3A_266, %broadcast_in_dim3A_267 : vector<16xi1>, vector<16xi32>
      %add3A_269 = arith.addi %add3A_260, %select_n3A_268 : vector<16xi32>
      %ge3A_270 = arith.constant 64 : i32
      %ge3A_271 = vector.broadcast %ge3A_270 : i32 to vector<16xi32>
      %ge3A_272 = arith.cmpi sge, %max3A_240, %ge3A_271 : vector<16xi32>
      %jit3A_273 = arith.constant 1 : i32
      %jit3A_274 = arith.constant 0 : i32
      %broadcast_in_dim3A_275 = vector.broadcast %jit3A_273 : i32 to vector<16xi32>
      %broadcast_in_dim3A_276 = vector.broadcast %jit3A_274 : i32 to vector<16xi32>
      %select_n3A_277 = arith.select %ge3A_272, %broadcast_in_dim3A_275, %broadcast_in_dim3A_276 : vector<16xi1>, vector<16xi32>
      %add3A_278 = arith.addi %add3A_269, %select_n3A_277 : vector<16xi32>
      %lt3A_279 = arith.constant 5 : i32
      %lt3A_280 = vector.broadcast %lt3A_279 : i32 to vector<16xi32>
      %lt3A_281 = arith.cmpi slt, %max3A_240, %lt3A_280 : vector<16xi32>
      %sub3A_282 = arith.constant 1 : i32
      %sub3A_283 = vector.broadcast %sub3A_282 : i32 to vector<16xi32>
      %sub3A_284 = arith.subi %max3A_240, %sub3A_283 : vector<16xi32>
      %select_n3A_285 = arith.select %lt3A_281, %sub3A_284, %add3A_278 : vector<16xi1>, vector<16xi32>
      %add3A_286 = arith.addi %mul3A_236, %select_n3A_285 : vector<16xi32>
      %add3A_287 = vector.broadcast %mul3A_22 : i32 to vector<16xi32>
      %add3A_288 = arith.addi %add3A_286, %add3A_287 : vector<16xi32>
      %swap3A_289 = arith.constant 16 : index
      %swap3A_290 = tpu.vector_load %arg17[%swap3A_289] {strides = array<i32>} : memref<128xi32, #tpu.memory_space<vmem>>, vector<16xi32>,
      tpu.vector_store %arg17[%swap3A_289], %add3A_288 {strides = array<i32>} : memref<128xi32, #tpu.memory_space<vmem>>, vector<16xi32>,
      %mul3A_291 = arith.constant 128 : i32
      %mul3A_292 = arith.muli %mul3A_42, %mul3A_291 : i32
      %add3A_293 = arith.constant 32 : i32
      %add3A_294 = arith.addi %mul3A_292, %add3A_293 : i32
      %mul3A_295 = arith.constant 2 : i32
      %mul3A_296 = arith.muli %mul3A_295, %add3A_294 : i32
      %add3A_297 = vector.broadcast %mul3A_296 : i32 to vector<16xi32>
      %add3A_298 = arith.addi %add3A_297, %mul3A_3 : vector<16xi32>
      %gather3A_299 = tpu.vector_load_idx %arg12[%add3A_298] : memref<1024xi32, #tpu.memory_space<vmem>>[vector<16xi32>], vector<16xi32>,
      %mul3A_300 = arith.constant 2 : i32
      %mul3A_301 = arith.muli %mul3A_300, %add3A_294 : i32
      %add3A_302 = vector.broadcast %mul3A_301 : i32 to vector<16xi32>
      %add3A_303 = arith.addi %add3A_302, %mul3A_3 : vector<16xi32>
      %add3A_304 = arith.constant 1 : i32
      %add3A_305 = vector.broadcast %add3A_304 : i32 to vector<16xi32>
      %add3A_306 = arith.addi %add3A_303, %add3A_305 : vector<16xi32>
      %gather3A_307 = tpu.vector_load_idx %arg12[%add3A_306] : memref<1024xi32, #tpu.memory_space<vmem>>[vector<16xi32>], vector<16xi32>,
      %get3A_308 = arith.index_cast %add3A_294 : i32 to index
      %get3A_309 = tpu.vector_load %arg13[%get3A_308] {strides = array<i32>} : memref<512xi32, #tpu.memory_space<vmem>>, vector<16xi32>,
      %get3A_310 = arith.index_cast %add3A_294 : i32 to index
      %get3A_311 = tpu.vector_load %arg14[%get3A_310] {strides = array<i32>} : memref<512xi32, #tpu.memory_space<vmem>>, vector<16xi32>,
      %sub3A_312 = arith.subi %get3A_309, %gather3A_299 : vector<16xi32>
      %max3A_313 = arith.constant 1 : i32
      %max3A_314 = vector.broadcast %max3A_313 : i32 to vector<16xi32>
      %max3A_315 = arith.maxsi %sub3A_312, %max3A_314 : vector<16xi32>
      %ge3A_316 = arith.constant 8 : i32
      %ge3A_317 = vector.broadcast %ge3A_316 : i32 to vector<16xi32>
      %ge3A_318 = arith.cmpi sge, %max3A_315, %ge3A_317 : vector<16xi32>
      %jit3A_319 = arith.constant 1 : i32
      %jit3A_320 = arith.constant 0 : i32
      %broadcast_in_dim3A_321 = vector.broadcast %jit3A_319 : i32 to vector<16xi32>
      %broadcast_in_dim3A_322 = vector.broadcast %jit3A_320 : i32 to vector<16xi32>
      %select_n3A_323 = arith.select %ge3A_318, %broadcast_in_dim3A_321, %broadcast_in_dim3A_322 : vector<16xi1>, vector<16xi32>
      %add3A_324 = arith.constant 4 : i32
      %add3A_325 = vector.broadcast %add3A_324 : i32 to vector<16xi32>
      %add3A_326 = arith.addi %add3A_325, %select_n3A_323 : vector<16xi32>
      %ge3A_327 = arith.constant 16 : i32
      %ge3A_328 = vector.broadcast %ge3A_327 : i32 to vector<16xi32>
      %ge3A_329 = arith.cmpi sge, %max3A_315, %ge3A_328 : vector<16xi32>
      %jit3A_330 = arith.constant 1 : i32
      %jit3A_331 = arith.constant 0 : i32
      %broadcast_in_dim3A_332 = vector.broadcast %jit3A_330 : i32 to vector<16xi32>
      %broadcast_in_dim3A_333 = vector.broadcast %jit3A_331 : i32 to vector<16xi32>
      %select_n3A_334 = arith.select %ge3A_329, %broadcast_in_dim3A_332, %broadcast_in_dim3A_333 : vector<16xi1>, vector<16xi32>
      %add3A_335 = arith.addi %add3A_326, %select_n3A_334 : vector<16xi32>
      %ge3A_336 = arith.constant 32 : i32
      %ge3A_337 = vector.broadcast %ge3A_336 : i32 to vector<16xi32>
      %ge3A_338 = arith.cmpi sge, %max3A_315, %ge3A_337 : vector<16xi32>
      %jit3A_339 = arith.constant 1 : i32
      %jit3A_340 = arith.constant 0 : i32
      %broadcast_in_dim3A_341 = vector.broadcast %jit3A_339 : i32 to vector<16xi32>
      %broadcast_in_dim3A_342 = vector.broadcast %jit3A_340 : i32 to vector<16xi32>
      %select_n3A_343 = arith.select %ge3A_338, %broadcast_in_dim3A_341, %broadcast_in_dim3A_342 : vector<16xi1>, vector<16xi32>
      %add3A_344 = arith.addi %add3A_335, %select_n3A_343 : vector<16xi32>
      %ge3A_345 = arith.constant 64 : i32
      %ge3A_346 = vector.broadcast %ge3A_345 : i32 to vector<16xi32>
      %ge3A_347 = arith.cmpi sge, %max3A_315, %ge3A_346 : vector<16xi32>
      %jit3A_348 = arith.constant 1 : i32
      %jit3A_349 = arith.constant 0 : i32
      %broadcast_in_dim3A_350 = vector.broadcast %jit3A_348 : i32 to vector<16xi32>
      %broadcast_in_dim3A_351 = vector.broadcast %jit3A_349 : i32 to vector<16xi32>
      %select_n3A_352 = arith.select %ge3A_347, %broadcast_in_dim3A_350, %broadcast_in_dim3A_351 : vector<16xi1>, vector<16xi32>
      %add3A_353 = arith.addi %add3A_344, %select_n3A_352 : vector<16xi32>
      %lt3A_354 = arith.constant 5 : i32
      %lt3A_355 = vector.broadcast %lt3A_354 : i32 to vector<16xi32>
      %lt3A_356 = arith.cmpi slt, %max3A_315, %lt3A_355 : vector<16xi32>
      %sub3A_357 = arith.constant 1 : i32
      %sub3A_358 = vector.broadcast %sub3A_357 : i32 to vector<16xi32>
      %sub3A_359 = arith.subi %max3A_315, %sub3A_358 : vector<16xi32>
      %select_n3A_360 = arith.select %lt3A_356, %sub3A_359, %add3A_353 : vector<16xi1>, vector<16xi32>
      %mul3A_361 = arith.constant 9 : i32
      %mul3A_362 = vector.broadcast %mul3A_361 : i32 to vector<16xi32>
      %mul3A_363 = arith.muli %select_n3A_360, %mul3A_362 : vector<16xi32>
      %sub3A_364 = arith.subi %get3A_311, %gather3A_307 : vector<16xi32>
      %max3A_365 = arith.constant 1 : i32
      %max3A_366 = vector.broadcast %max3A_365 : i32 to vector<16xi32>
      %max3A_367 = arith.maxsi %sub3A_364, %max3A_366 : vector<16xi32>
      %ge3A_368 = arith.constant 8 : i32
      %ge3A_369 = vector.broadcast %ge3A_368 : i32 to vector<16xi32>
      %ge3A_370 = arith.cmpi sge, %max3A_367, %ge3A_369 : vector<16xi32>
      %jit3A_371 = arith.constant 1 : i32
      %jit3A_372 = arith.constant 0 : i32
      %broadcast_in_dim3A_373 = vector.broadcast %jit3A_371 : i32 to vector<16xi32>
      %broadcast_in_dim3A_374 = vector.broadcast %jit3A_372 : i32 to vector<16xi32>
      %select_n3A_375 = arith.select %ge3A_370, %broadcast_in_dim3A_373, %broadcast_in_dim3A_374 : vector<16xi1>, vector<16xi32>
      %add3A_376 = arith.constant 4 : i32
      %add3A_377 = vector.broadcast %add3A_376 : i32 to vector<16xi32>
      %add3A_378 = arith.addi %add3A_377, %select_n3A_375 : vector<16xi32>
      %ge3A_379 = arith.constant 16 : i32
      %ge3A_380 = vector.broadcast %ge3A_379 : i32 to vector<16xi32>
      %ge3A_381 = arith.cmpi sge, %max3A_367, %ge3A_380 : vector<16xi32>
      %jit3A_382 = arith.constant 1 : i32
      %jit3A_383 = arith.constant 0 : i32
      %broadcast_in_dim3A_384 = vector.broadcast %jit3A_382 : i32 to vector<16xi32>
      %broadcast_in_dim3A_385 = vector.broadcast %jit3A_383 : i32 to vector<16xi32>
      %select_n3A_386 = arith.select %ge3A_381, %broadcast_in_dim3A_384, %broadcast_in_dim3A_385 : vector<16xi1>, vector<16xi32>
      %add3A_387 = arith.addi %add3A_378, %select_n3A_386 : vector<16xi32>
      %ge3A_388 = arith.constant 32 : i32
      %ge3A_389 = vector.broadcast %ge3A_388 : i32 to vector<16xi32>
      %ge3A_390 = arith.cmpi sge, %max3A_367, %ge3A_389 : vector<16xi32>
      %jit3A_391 = arith.constant 1 : i32
      %jit3A_392 = arith.constant 0 : i32
      %broadcast_in_dim3A_393 = vector.broadcast %jit3A_391 : i32 to vector<16xi32>
      %broadcast_in_dim3A_394 = vector.broadcast %jit3A_392 : i32 to vector<16xi32>
      %select_n3A_395 = arith.select %ge3A_390, %broadcast_in_dim3A_393, %broadcast_in_dim3A_394 : vector<16xi1>, vector<16xi32>
      %add3A_396 = arith.addi %add3A_387, %select_n3A_395 : vector<16xi32>
      %ge3A_397 = arith.constant 64 : i32
      %ge3A_398 = vector.broadcast %ge3A_397 : i32 to vector<16xi32>
      %ge3A_399 = arith.cmpi sge, %max3A_367, %ge3A_398 : vector<16xi32>
      %jit3A_400 = arith.constant 1 : i32
      %jit3A_401 = arith.constant 0 : i32
      %broadcast_in_dim3A_402 = vector.broadcast %jit3A_400 : i32 to vector<16xi32>
      %broadcast_in_dim3A_403 = vector.broadcast %jit3A_401 : i32 to vector<16xi32>
      %select_n3A_404 = arith.select %ge3A_399, %broadcast_in_dim3A_402, %broadcast_in_dim3A_403 : vector<16xi1>, vector<16xi32>
      %add3A_405 = arith.addi %add3A_396, %select_n3A_404 : vector<16xi32>
      %lt3A_406 = arith.constant 5 : i32
      %lt3A_407 = vector.broadcast %lt3A_406 : i32 to vector<16xi32>
      %lt3A_408 = arith.cmpi slt, %max3A_367, %lt3A_407 : vector<16xi32>
      %sub3A_409 = arith.constant 1 : i32
      %sub3A_410 = vector.broadcast %sub3A_409 : i32 to vector<16xi32>
      %sub3A_411 = arith.subi %max3A_367, %sub3A_410 : vector<16xi32>
      %select_n3A_412 = arith.select %lt3A_408, %sub3A_411, %add3A_405 : vector<16xi1>, vector<16xi32>
      %add3A_413 = arith.addi %mul3A_363, %select_n3A_412 : vector<16xi32>
      %add3A_414 = vector.broadcast %mul3A_22 : i32 to vector<16xi32>
      %add3A_415 = arith.addi %add3A_413, %add3A_414 : vector<16xi32>
      %swap3A_416 = arith.constant 32 : index
      %swap3A_417 = tpu.vector_load %arg17[%swap3A_416] {strides = array<i32>} : memref<128xi32, #tpu.memory_space<vmem>>, vector<16xi32>,
      tpu.vector_store %arg17[%swap3A_416], %add3A_415 {strides = array<i32>} : memref<128xi32, #tpu.memory_space<vmem>>, vector<16xi32>,
      %mul3A_418 = arith.constant 128 : i32
      %mul3A_419 = arith.muli %mul3A_42, %mul3A_418 : i32
      %add3A_420 = arith.constant 48 : i32
      %add3A_421 = arith.addi %mul3A_419, %add3A_420 : i32
      %mul3A_422 = arith.constant 2 : i32
      %mul3A_423 = arith.muli %mul3A_422, %add3A_421 : i32
      %add3A_424 = vector.broadcast %mul3A_423 : i32 to vector<16xi32>
      %add3A_425 = arith.addi %add3A_424, %mul3A_3 : vector<16xi32>
      %gather3A_426 = tpu.vector_load_idx %arg12[%add3A_425] : memref<1024xi32, #tpu.memory_space<vmem>>[vector<16xi32>], vector<16xi32>,
      %mul3A_427 = arith.constant 2 : i32
      %mul3A_428 = arith.muli %mul3A_427, %add3A_421 : i32
      %add3A_429 = vector.broadcast %mul3A_428 : i32 to vector<16xi32>
      %add3A_430 = arith.addi %add3A_429, %mul3A_3 : vector<16xi32>
      %add3A_431 = arith.constant 1 : i32
      %add3A_432 = vector.broadcast %add3A_431 : i32 to vector<16xi32>
      %add3A_433 = arith.addi %add3A_430, %add3A_432 : vector<16xi32>
      %gather3A_434 = tpu.vector_load_idx %arg12[%add3A_433] : memref<1024xi32, #tpu.memory_space<vmem>>[vector<16xi32>], vector<16xi32>,
      %get3A_435 = arith.index_cast %add3A_421 : i32 to index
      %get3A_436 = tpu.vector_load %arg13[%get3A_435] {strides = array<i32>} : memref<512xi32, #tpu.memory_space<vmem>>, vector<16xi32>,
      %get3A_437 = arith.index_cast %add3A_421 : i32 to index
      %get3A_438 = tpu.vector_load %arg14[%get3A_437] {strides = array<i32>} : memref<512xi32, #tpu.memory_space<vmem>>, vector<16xi32>,
      %sub3A_439 = arith.subi %get3A_436, %gather3A_426 : vector<16xi32>
      %max3A_440 = arith.constant 1 : i32
      %max3A_441 = vector.broadcast %max3A_440 : i32 to vector<16xi32>
      %max3A_442 = arith.maxsi %sub3A_439, %max3A_441 : vector<16xi32>
      %ge3A_443 = arith.constant 8 : i32
      %ge3A_444 = vector.broadcast %ge3A_443 : i32 to vector<16xi32>
      %ge3A_445 = arith.cmpi sge, %max3A_442, %ge3A_444 : vector<16xi32>
      %jit3A_446 = arith.constant 1 : i32
      %jit3A_447 = arith.constant 0 : i32
      %broadcast_in_dim3A_448 = vector.broadcast %jit3A_446 : i32 to vector<16xi32>
      %broadcast_in_dim3A_449 = vector.broadcast %jit3A_447 : i32 to vector<16xi32>
      %select_n3A_450 = arith.select %ge3A_445, %broadcast_in_dim3A_448, %broadcast_in_dim3A_449 : vector<16xi1>, vector<16xi32>
      %add3A_451 = arith.constant 4 : i32
      %add3A_452 = vector.broadcast %add3A_451 : i32 to vector<16xi32>
      %add3A_453 = arith.addi %add3A_452, %select_n3A_450 : vector<16xi32>
      %ge3A_454 = arith.constant 16 : i32
      %ge3A_455 = vector.broadcast %ge3A_454 : i32 to vector<16xi32>
      %ge3A_456 = arith.cmpi sge, %max3A_442, %ge3A_455 : vector<16xi32>
      %jit3A_457 = arith.constant 1 : i32
      %jit3A_458 = arith.constant 0 : i32
      %broadcast_in_dim3A_459 = vector.broadcast %jit3A_457 : i32 to vector<16xi32>
      %broadcast_in_dim3A_460 = vector.broadcast %jit3A_458 : i32 to vector<16xi32>
      %select_n3A_461 = arith.select %ge3A_456, %broadcast_in_dim3A_459, %broadcast_in_dim3A_460 : vector<16xi1>, vector<16xi32>
      %add3A_462 = arith.addi %add3A_453, %select_n3A_461 : vector<16xi32>
      %ge3A_463 = arith.constant 32 : i32
      %ge3A_464 = vector.broadcast %ge3A_463 : i32 to vector<16xi32>
      %ge3A_465 = arith.cmpi sge, %max3A_442, %ge3A_464 : vector<16xi32>
      %jit3A_466 = arith.constant 1 : i32
      %jit3A_467 = arith.constant 0 : i32
      %broadcast_in_dim3A_468 = vector.broadcast %jit3A_466 : i32 to vector<16xi32>
      %broadcast_in_dim3A_469 = vector.broadcast %jit3A_467 : i32 to vector<16xi32>
      %select_n3A_470 = arith.select %ge3A_465, %broadcast_in_dim3A_468, %broadcast_in_dim3A_469 : vector<16xi1>, vector<16xi32>
      %add3A_471 = arith.addi %add3A_462, %select_n3A_470 : vector<16xi32>
      %ge3A_472 = arith.constant 64 : i32
      %ge3A_473 = vector.broadcast %ge3A_472 : i32 to vector<16xi32>
      %ge3A_474 = arith.cmpi sge, %max3A_442, %ge3A_473 : vector<16xi32>
      %jit3A_475 = arith.constant 1 : i32
      %jit3A_476 = arith.constant 0 : i32
      %broadcast_in_dim3A_477 = vector.broadcast %jit3A_475 : i32 to vector<16xi32>
      %broadcast_in_dim3A_478 = vector.broadcast %jit3A_476 : i32 to vector<16xi32>
      %select_n3A_479 = arith.select %ge3A_474, %broadcast_in_dim3A_477, %broadcast_in_dim3A_478 : vector<16xi1>, vector<16xi32>
      %add3A_480 = arith.addi %add3A_471, %select_n3A_479 : vector<16xi32>
      %lt3A_481 = arith.constant 5 : i32
      %lt3A_482 = vector.broadcast %lt3A_481 : i32 to vector<16xi32>
      %lt3A_483 = arith.cmpi slt, %max3A_442, %lt3A_482 : vector<16xi32>
      %sub3A_484 = arith.constant 1 : i32
      %sub3A_485 = vector.broadcast %sub3A_484 : i32 to vector<16xi32>
      %sub3A_486 = arith.subi %max3A_442, %sub3A_485 : vector<16xi32>
      %select_n3A_487 = arith.select %lt3A_483, %sub3A_486, %add3A_480 : vector<16xi1>, vector<16xi32>
      %mul3A_488 = arith.constant 9 : i32
      %mul3A_489 = vector.broadcast %mul3A_488 : i32 to vector<16xi32>
      %mul3A_490 = arith.muli %select_n3A_487, %mul3A_489 : vector<16xi32>
      %sub3A_491 = arith.subi %get3A_438, %gather3A_434 : vector<16xi32>
      %max3A_492 = arith.constant 1 : i32
      %max3A_493 = vector.broadcast %max3A_492 : i32 to vector<16xi32>
      %max3A_494 = arith.maxsi %sub3A_491, %max3A_493 : vector<16xi32>
      %ge3A_495 = arith.constant 8 : i32
      %ge3A_496 = vector.broadcast %ge3A_495 : i32 to vector<16xi32>
      %ge3A_497 = arith.cmpi sge, %max3A_494, %ge3A_496 : vector<16xi32>
      %jit3A_498 = arith.constant 1 : i32
      %jit3A_499 = arith.constant 0 : i32
      %broadcast_in_dim3A_500 = vector.broadcast %jit3A_498 : i32 to vector<16xi32>
      %broadcast_in_dim3A_501 = vector.broadcast %jit3A_499 : i32 to vector<16xi32>
      %select_n3A_502 = arith.select %ge3A_497, %broadcast_in_dim3A_500, %broadcast_in_dim3A_501 : vector<16xi1>, vector<16xi32>
      %add3A_503 = arith.constant 4 : i32
      %add3A_504 = vector.broadcast %add3A_503 : i32 to vector<16xi32>
      %add3A_505 = arith.addi %add3A_504, %select_n3A_502 : vector<16xi32>
      %ge3A_506 = arith.constant 16 : i32
      %ge3A_507 = vector.broadcast %ge3A_506 : i32 to vector<16xi32>
      %ge3A_508 = arith.cmpi sge, %max3A_494, %ge3A_507 : vector<16xi32>
      %jit3A_509 = arith.constant 1 : i32
      %jit3A_510 = arith.constant 0 : i32
      %broadcast_in_dim3A_511 = vector.broadcast %jit3A_509 : i32 to vector<16xi32>
      %broadcast_in_dim3A_512 = vector.broadcast %jit3A_510 : i32 to vector<16xi32>
      %select_n3A_513 = arith.select %ge3A_508, %broadcast_in_dim3A_511, %broadcast_in_dim3A_512 : vector<16xi1>, vector<16xi32>
      %add3A_514 = arith.addi %add3A_505, %select_n3A_513 : vector<16xi32>
      %ge3A_515 = arith.constant 32 : i32
      %ge3A_516 = vector.broadcast %ge3A_515 : i32 to vector<16xi32>
      %ge3A_517 = arith.cmpi sge, %max3A_494, %ge3A_516 : vector<16xi32>
      %jit3A_518 = arith.constant 1 : i32
      %jit3A_519 = arith.constant 0 : i32
      %broadcast_in_dim3A_520 = vector.broadcast %jit3A_518 : i32 to vector<16xi32>
      %broadcast_in_dim3A_521 = vector.broadcast %jit3A_519 : i32 to vector<16xi32>
      %select_n3A_522 = arith.select %ge3A_517, %broadcast_in_dim3A_520, %broadcast_in_dim3A_521 : vector<16xi1>, vector<16xi32>
      %add3A_523 = arith.addi %add3A_514, %select_n3A_522 : vector<16xi32>
      %ge3A_524 = arith.constant 64 : i32
      %ge3A_525 = vector.broadcast %ge3A_524 : i32 to vector<16xi32>
      %ge3A_526 = arith.cmpi sge, %max3A_494, %ge3A_525 : vector<16xi32>
      %jit3A_527 = arith.constant 1 : i32
      %jit3A_528 = arith.constant 0 : i32
      %broadcast_in_dim3A_529 = vector.broadcast %jit3A_527 : i32 to vector<16xi32>
      %broadcast_in_dim3A_530 = vector.broadcast %jit3A_528 : i32 to vector<16xi32>
      %select_n3A_531 = arith.select %ge3A_526, %broadcast_in_dim3A_529, %broadcast_in_dim3A_530 : vector<16xi1>, vector<16xi32>
      %add3A_532 = arith.addi %add3A_523, %select_n3A_531 : vector<16xi32>
      %lt3A_533 = arith.constant 5 : i32
      %lt3A_534 = vector.broadcast %lt3A_533 : i32 to vector<16xi32>
      %lt3A_535 = arith.cmpi slt, %max3A_494, %lt3A_534 : vector<16xi32>
      %sub3A_536 = arith.constant 1 : i32
      %sub3A_537 = vector.broadcast %sub3A_536 : i32 to vector<16xi32>
      %sub3A_538 = arith.subi %max3A_494, %sub3A_537 : vector<16xi32>
      %select_n3A_539 = arith.select %lt3A_535, %sub3A_538, %add3A_532 : vector<16xi1>, vector<16xi32>
      %add3A_540 = arith.addi %mul3A_490, %select_n3A_539 : vector<16xi32>
      %add3A_541 = vector.broadcast %mul3A_22 : i32 to vector<16xi32>
      %add3A_542 = arith.addi %add3A_540, %add3A_541 : vector<16xi32>
      %swap3A_543 = arith.constant 48 : index
      %swap3A_544 = tpu.vector_load %arg17[%swap3A_543] {strides = array<i32>} : memref<128xi32, #tpu.memory_space<vmem>>, vector<16xi32>,
      tpu.vector_store %arg17[%swap3A_543], %add3A_542 {strides = array<i32>} : memref<128xi32, #tpu.memory_space<vmem>>, vector<16xi32>,
      %mul3A_545 = arith.constant 128 : i32
      %mul3A_546 = arith.muli %mul3A_42, %mul3A_545 : i32
      %add3A_547 = arith.constant 64 : i32
      %add3A_548 = arith.addi %mul3A_546, %add3A_547 : i32
      %mul3A_549 = arith.constant 2 : i32
      %mul3A_550 = arith.muli %mul3A_549, %add3A_548 : i32
      %add3A_551 = vector.broadcast %mul3A_550 : i32 to vector<16xi32>
      %add3A_552 = arith.addi %add3A_551, %mul3A_3 : vector<16xi32>
      %gather3A_553 = tpu.vector_load_idx %arg12[%add3A_552] : memref<1024xi32, #tpu.memory_space<vmem>>[vector<16xi32>], vector<16xi32>,
      %mul3A_554 = arith.constant 2 : i32
      %mul3A_555 = arith.muli %mul3A_554, %add3A_548 : i32
      %add3A_556 = vector.broadcast %mul3A_555 : i32 to vector<16xi32>
      %add3A_557 = arith.addi %add3A_556, %mul3A_3 : vector<16xi32>
      %add3A_558 = arith.constant 1 : i32
      %add3A_559 = vector.broadcast %add3A_558 : i32 to vector<16xi32>
      %add3A_560 = arith.addi %add3A_557, %add3A_559 : vector<16xi32>
      %gather3A_561 = tpu.vector_load_idx %arg12[%add3A_560] : memref<1024xi32, #tpu.memory_space<vmem>>[vector<16xi32>], vector<16xi32>,
      %get3A_562 = arith.index_cast %add3A_548 : i32 to index
      %get3A_563 = tpu.vector_load %arg13[%get3A_562] {strides = array<i32>} : memref<512xi32, #tpu.memory_space<vmem>>, vector<16xi32>,
      %get3A_564 = arith.index_cast %add3A_548 : i32 to index
      %get3A_565 = tpu.vector_load %arg14[%get3A_564] {strides = array<i32>} : memref<512xi32, #tpu.memory_space<vmem>>, vector<16xi32>,
      %sub3A_566 = arith.subi %get3A_563, %gather3A_553 : vector<16xi32>
      %max3A_567 = arith.constant 1 : i32
      %max3A_568 = vector.broadcast %max3A_567 : i32 to vector<16xi32>
      %max3A_569 = arith.maxsi %sub3A_566, %max3A_568 : vector<16xi32>
      %ge3A_570 = arith.constant 8 : i32
      %ge3A_571 = vector.broadcast %ge3A_570 : i32 to vector<16xi32>
      %ge3A_572 = arith.cmpi sge, %max3A_569, %ge3A_571 : vector<16xi32>
      %jit3A_573 = arith.constant 1 : i32
      %jit3A_574 = arith.constant 0 : i32
      %broadcast_in_dim3A_575 = vector.broadcast %jit3A_573 : i32 to vector<16xi32>
      %broadcast_in_dim3A_576 = vector.broadcast %jit3A_574 : i32 to vector<16xi32>
      %select_n3A_577 = arith.select %ge3A_572, %broadcast_in_dim3A_575, %broadcast_in_dim3A_576 : vector<16xi1>, vector<16xi32>
      %add3A_578 = arith.constant 4 : i32
      %add3A_579 = vector.broadcast %add3A_578 : i32 to vector<16xi32>
      %add3A_580 = arith.addi %add3A_579, %select_n3A_577 : vector<16xi32>
      %ge3A_581 = arith.constant 16 : i32
      %ge3A_582 = vector.broadcast %ge3A_581 : i32 to vector<16xi32>
      %ge3A_583 = arith.cmpi sge, %max3A_569, %ge3A_582 : vector<16xi32>
      %jit3A_584 = arith.constant 1 : i32
      %jit3A_585 = arith.constant 0 : i32
      %broadcast_in_dim3A_586 = vector.broadcast %jit3A_584 : i32 to vector<16xi32>
      %broadcast_in_dim3A_587 = vector.broadcast %jit3A_585 : i32 to vector<16xi32>
      %select_n3A_588 = arith.select %ge3A_583, %broadcast_in_dim3A_586, %broadcast_in_dim3A_587 : vector<16xi1>, vector<16xi32>
      %add3A_589 = arith.addi %add3A_580, %select_n3A_588 : vector<16xi32>
      %ge3A_590 = arith.constant 32 : i32
      %ge3A_591 = vector.broadcast %ge3A_590 : i32 to vector<16xi32>
      %ge3A_592 = arith.cmpi sge, %max3A_569, %ge3A_591 : vector<16xi32>
      %jit3A_593 = arith.constant 1 : i32
      %jit3A_594 = arith.constant 0 : i32
      %broadcast_in_dim3A_595 = vector.broadcast %jit3A_593 : i32 to vector<16xi32>
      %broadcast_in_dim3A_596 = vector.broadcast %jit3A_594 : i32 to vector<16xi32>
      %select_n3A_597 = arith.select %ge3A_592, %broadcast_in_dim3A_595, %broadcast_in_dim3A_596 : vector<16xi1>, vector<16xi32>
      %add3A_598 = arith.addi %add3A_589, %select_n3A_597 : vector<16xi32>
      %ge3A_599 = arith.constant 64 : i32
      %ge3A_600 = vector.broadcast %ge3A_599 : i32 to vector<16xi32>
      %ge3A_601 = arith.cmpi sge, %max3A_569, %ge3A_600 : vector<16xi32>
      %jit3A_602 = arith.constant 1 : i32
      %jit3A_603 = arith.constant 0 : i32
      %broadcast_in_dim3A_604 = vector.broadcast %jit3A_602 : i32 to vector<16xi32>
      %broadcast_in_dim3A_605 = vector.broadcast %jit3A_603 : i32 to vector<16xi32>
      %select_n3A_606 = arith.select %ge3A_601, %broadcast_in_dim3A_604, %broadcast_in_dim3A_605 : vector<16xi1>, vector<16xi32>
      %add3A_607 = arith.addi %add3A_598, %select_n3A_606 : vector<16xi32>
      %lt3A_608 = arith.constant 5 : i32
      %lt3A_609 = vector.broadcast %lt3A_608 : i32 to vector<16xi32>
      %lt3A_610 = arith.cmpi slt, %max3A_569, %lt3A_609 : vector<16xi32>
      %sub3A_611 = arith.constant 1 : i32
      %sub3A_612 = vector.broadcast %sub3A_611 : i32 to vector<16xi32>
      %sub3A_613 = arith.subi %max3A_569, %sub3A_612 : vector<16xi32>
      %select_n3A_614 = arith.select %lt3A_610, %sub3A_613, %add3A_607 : vector<16xi1>, vector<16xi32>
      %mul3A_615 = arith.constant 9 : i32
      %mul3A_616 = vector.broadcast %mul3A_615 : i32 to vector<16xi32>
      %mul3A_617 = arith.muli %select_n3A_614, %mul3A_616 : vector<16xi32>
      %sub3A_618 = arith.subi %get3A_565, %gather3A_561 : vector<16xi32>
      %max3A_619 = arith.constant 1 : i32
      %max3A_620 = vector.broadcast %max3A_619 : i32 to vector<16xi32>
      %max3A_621 = arith.maxsi %sub3A_618, %max3A_620 : vector<16xi32>
      %ge3A_622 = arith.constant 8 : i32
      %ge3A_623 = vector.broadcast %ge3A_622 : i32 to vector<16xi32>
      %ge3A_624 = arith.cmpi sge, %max3A_621, %ge3A_623 : vector<16xi32>
      %jit3A_625 = arith.constant 1 : i32
      %jit3A_626 = arith.constant 0 : i32
      %broadcast_in_dim3A_627 = vector.broadcast %jit3A_625 : i32 to vector<16xi32>
      %broadcast_in_dim3A_628 = vector.broadcast %jit3A_626 : i32 to vector<16xi32>
      %select_n3A_629 = arith.select %ge3A_624, %broadcast_in_dim3A_627, %broadcast_in_dim3A_628 : vector<16xi1>, vector<16xi32>
      %add3A_630 = arith.constant 4 : i32
      %add3A_631 = vector.broadcast %add3A_630 : i32 to vector<16xi32>
      %add3A_632 = arith.addi %add3A_631, %select_n3A_629 : vector<16xi32>
      %ge3A_633 = arith.constant 16 : i32
      %ge3A_634 = vector.broadcast %ge3A_633 : i32 to vector<16xi32>
      %ge3A_635 = arith.cmpi sge, %max3A_621, %ge3A_634 : vector<16xi32>
      %jit3A_636 = arith.constant 1 : i32
      %jit3A_637 = arith.constant 0 : i32
      %broadcast_in_dim3A_638 = vector.broadcast %jit3A_636 : i32 to vector<16xi32>
      %broadcast_in_dim3A_639 = vector.broadcast %jit3A_637 : i32 to vector<16xi32>
      %select_n3A_640 = arith.select %ge3A_635, %broadcast_in_dim3A_638, %broadcast_in_dim3A_639 : vector<16xi1>, vector<16xi32>
      %add3A_641 = arith.addi %add3A_632, %select_n3A_640 : vector<16xi32>
      %ge3A_642 = arith.constant 32 : i32
      %ge3A_643 = vector.broadcast %ge3A_642 : i32 to vector<16xi32>
      %ge3A_644 = arith.cmpi sge, %max3A_621, %ge3A_643 : vector<16xi32>
      %jit3A_645 = arith.constant 1 : i32
      %jit3A_646 = arith.constant 0 : i32
      %broadcast_in_dim3A_647 = vector.broadcast %jit3A_645 : i32 to vector<16xi32>
      %broadcast_in_dim3A_648 = vector.broadcast %jit3A_646 : i32 to vector<16xi32>
      %select_n3A_649 = arith.select %ge3A_644, %broadcast_in_dim3A_647, %broadcast_in_dim3A_648 : vector<16xi1>, vector<16xi32>
      %add3A_650 = arith.addi %add3A_641, %select_n3A_649 : vector<16xi32>
      %ge3A_651 = arith.constant 64 : i32
      %ge3A_652 = vector.broadcast %ge3A_651 : i32 to vector<16xi32>
      %ge3A_653 = arith.cmpi sge, %max3A_621, %ge3A_652 : vector<16xi32>
      %jit3A_654 = arith.constant 1 : i32
      %jit3A_655 = arith.constant 0 : i32
      %broadcast_in_dim3A_656 = vector.broadcast %jit3A_654 : i32 to vector<16xi32>
      %broadcast_in_dim3A_657 = vector.broadcast %jit3A_655 : i32 to vector<16xi32>
      %select_n3A_658 = arith.select %ge3A_653, %broadcast_in_dim3A_656, %broadcast_in_dim3A_657 : vector<16xi1>, vector<16xi32>
      %add3A_659 = arith.addi %add3A_650, %select_n3A_658 : vector<16xi32>
      %lt3A_660 = arith.constant 5 : i32
      %lt3A_661 = vector.broadcast %lt3A_660 : i32 to vector<16xi32>
      %lt3A_662 = arith.cmpi slt, %max3A_621, %lt3A_661 : vector<16xi32>
      %sub3A_663 = arith.constant 1 : i32
      %sub3A_664 = vector.broadcast %sub3A_663 : i32 to vector<16xi32>
      %sub3A_665 = arith.subi %max3A_621, %sub3A_664 : vector<16xi32>
      %select_n3A_666 = arith.select %lt3A_662, %sub3A_665, %add3A_659 : vector<16xi1>, vector<16xi32>
      %add3A_667 = arith.addi %mul3A_617, %select_n3A_666 : vector<16xi32>
      %add3A_668 = vector.broadcast %mul3A_22 : i32 to vector<16xi32>
      %add3A_669 = arith.addi %add3A_667, %add3A_668 : vector<16xi32>
      %swap3A_670 = arith.constant 64 : index
      %swap3A_671 = tpu.vector_load %arg17[%swap3A_670] {strides = array<i32>} : memref<128xi32, #tpu.memory_space<vmem>>, vector<16xi32>,
      tpu.vector_store %arg17[%swap3A_670], %add3A_669 {strides = array<i32>} : memref<128xi32, #tpu.memory_space<vmem>>, vector<16xi32>,
      %mul3A_672 = arith.constant 128 : i32
      %mul3A_673 = arith.muli %mul3A_42, %mul3A_672 : i32
      %add3A_674 = arith.constant 80 : i32
      %add3A_675 = arith.addi %mul3A_673, %add3A_674 : i32
      %mul3A_676 = arith.constant 2 : i32
      %mul3A_677 = arith.muli %mul3A_676, %add3A_675 : i32
      %add3A_678 = vector.broadcast %mul3A_677 : i32 to vector<16xi32>
      %add3A_679 = arith.addi %add3A_678, %mul3A_3 : vector<16xi32>
      %gather3A_680 = tpu.vector_load_idx %arg12[%add3A_679] : memref<1024xi32, #tpu.memory_space<vmem>>[vector<16xi32>], vector<16xi32>,
      %mul3A_681 = arith.constant 2 : i32
      %mul3A_682 = arith.muli %mul3A_681, %add3A_675 : i32
      %add3A_683 = vector.broadcast %mul3A_682 : i32 to vector<16xi32>
      %add3A_684 = arith.addi %add3A_683, %mul3A_3 : vector<16xi32>
      %add3A_685 = arith.constant 1 : i32
      %add3A_686 = vector.broadcast %add3A_685 : i32 to vector<16xi32>
      %add3A_687 = arith.addi %add3A_684, %add3A_686 : vector<16xi32>
      %gather3A_688 = tpu.vector_load_idx %arg12[%add3A_687] : memref<1024xi32, #tpu.memory_space<vmem>>[vector<16xi32>], vector<16xi32>,
      %get3A_689 = arith.index_cast %add3A_675 : i32 to index
      %get3A_690 = tpu.vector_load %arg13[%get3A_689] {strides = array<i32>} : memref<512xi32, #tpu.memory_space<vmem>>, vector<16xi32>,
      %get3A_691 = arith.index_cast %add3A_675 : i32 to index
      %get3A_692 = tpu.vector_load %arg14[%get3A_691] {strides = array<i32>} : memref<512xi32, #tpu.memory_space<vmem>>, vector<16xi32>,
      %sub3A_693 = arith.subi %get3A_690, %gather3A_680 : vector<16xi32>
      %max3A_694 = arith.constant 1 : i32
      %max3A_695 = vector.broadcast %max3A_694 : i32 to vector<16xi32>
      %max3A_696 = arith.maxsi %sub3A_693, %max3A_695 : vector<16xi32>
      %ge3A_697 = arith.constant 8 : i32
      %ge3A_698 = vector.broadcast %ge3A_697 : i32 to vector<16xi32>
      %ge3A_699 = arith.cmpi sge, %max3A_696, %ge3A_698 : vector<16xi32>
      %jit3A_700 = arith.constant 1 : i32
      %jit3A_701 = arith.constant 0 : i32
      %broadcast_in_dim3A_702 = vector.broadcast %jit3A_700 : i32 to vector<16xi32>
      %broadcast_in_dim3A_703 = vector.broadcast %jit3A_701 : i32 to vector<16xi32>
      %select_n3A_704 = arith.select %ge3A_699, %broadcast_in_dim3A_702, %broadcast_in_dim3A_703 : vector<16xi1>, vector<16xi32>
      %add3A_705 = arith.constant 4 : i32
      %add3A_706 = vector.broadcast %add3A_705 : i32 to vector<16xi32>
      %add3A_707 = arith.addi %add3A_706, %select_n3A_704 : vector<16xi32>
      %ge3A_708 = arith.constant 16 : i32
      %ge3A_709 = vector.broadcast %ge3A_708 : i32 to vector<16xi32>
      %ge3A_710 = arith.cmpi sge, %max3A_696, %ge3A_709 : vector<16xi32>
      %jit3A_711 = arith.constant 1 : i32
      %jit3A_712 = arith.constant 0 : i32
      %broadcast_in_dim3A_713 = vector.broadcast %jit3A_711 : i32 to vector<16xi32>
      %broadcast_in_dim3A_714 = vector.broadcast %jit3A_712 : i32 to vector<16xi32>
      %select_n3A_715 = arith.select %ge3A_710, %broadcast_in_dim3A_713, %broadcast_in_dim3A_714 : vector<16xi1>, vector<16xi32>
      %add3A_716 = arith.addi %add3A_707, %select_n3A_715 : vector<16xi32>
      %ge3A_717 = arith.constant 32 : i32
      %ge3A_718 = vector.broadcast %ge3A_717 : i32 to vector<16xi32>
      %ge3A_719 = arith.cmpi sge, %max3A_696, %ge3A_718 : vector<16xi32>
      %jit3A_720 = arith.constant 1 : i32
      %jit3A_721 = arith.constant 0 : i32
      %broadcast_in_dim3A_722 = vector.broadcast %jit3A_720 : i32 to vector<16xi32>
      %broadcast_in_dim3A_723 = vector.broadcast %jit3A_721 : i32 to vector<16xi32>
      %select_n3A_724 = arith.select %ge3A_719, %broadcast_in_dim3A_722, %broadcast_in_dim3A_723 : vector<16xi1>, vector<16xi32>
      %add3A_725 = arith.addi %add3A_716, %select_n3A_724 : vector<16xi32>
      %ge3A_726 = arith.constant 64 : i32
      %ge3A_727 = vector.broadcast %ge3A_726 : i32 to vector<16xi32>
      %ge3A_728 = arith.cmpi sge, %max3A_696, %ge3A_727 : vector<16xi32>
      %jit3A_729 = arith.constant 1 : i32
      %jit3A_730 = arith.constant 0 : i32
      %broadcast_in_dim3A_731 = vector.broadcast %jit3A_729 : i32 to vector<16xi32>
      %broadcast_in_dim3A_732 = vector.broadcast %jit3A_730 : i32 to vector<16xi32>
      %select_n3A_733 = arith.select %ge3A_728, %broadcast_in_dim3A_731, %broadcast_in_dim3A_732 : vector<16xi1>, vector<16xi32>
      %add3A_734 = arith.addi %add3A_725, %select_n3A_733 : vector<16xi32>
      %lt3A_735 = arith.constant 5 : i32
      %lt3A_736 = vector.broadcast %lt3A_735 : i32 to vector<16xi32>
      %lt3A_737 = arith.cmpi slt, %max3A_696, %lt3A_736 : vector<16xi32>
      %sub3A_738 = arith.constant 1 : i32
      %sub3A_739 = vector.broadcast %sub3A_738 : i32 to vector<16xi32>
      %sub3A_740 = arith.subi %max3A_696, %sub3A_739 : vector<16xi32>
      %select_n3A_741 = arith.select %lt3A_737, %sub3A_740, %add3A_734 : vector<16xi1>, vector<16xi32>
      %mul3A_742 = arith.constant 9 : i32
      %mul3A_743 = vector.broadcast %mul3A_742 : i32 to vector<16xi32>
      %mul3A_744 = arith.muli %select_n3A_741, %mul3A_743 : vector<16xi32>
      %sub3A_745 = arith.subi %get3A_692, %gather3A_688 : vector<16xi32>
      %max3A_746 = arith.constant 1 : i32
      %max3A_747 = vector.broadcast %max3A_746 : i32 to vector<16xi32>
      %max3A_748 = arith.maxsi %sub3A_745, %max3A_747 : vector<16xi32>
      %ge3A_749 = arith.constant 8 : i32
      %ge3A_750 = vector.broadcast %ge3A_749 : i32 to vector<16xi32>
      %ge3A_751 = arith.cmpi sge, %max3A_748, %ge3A_750 : vector<16xi32>
      %jit3A_752 = arith.constant 1 : i32
      %jit3A_753 = arith.constant 0 : i32
      %broadcast_in_dim3A_754 = vector.broadcast %jit3A_752 : i32 to vector<16xi32>
      %broadcast_in_dim3A_755 = vector.broadcast %jit3A_753 : i32 to vector<16xi32>
      %select_n3A_756 = arith.select %ge3A_751, %broadcast_in_dim3A_754, %broadcast_in_dim3A_755 : vector<16xi1>, vector<16xi32>
      %add3A_757 = arith.constant 4 : i32
      %add3A_758 = vector.broadcast %add3A_757 : i32 to vector<16xi32>
      %add3A_759 = arith.addi %add3A_758, %select_n3A_756 : vector<16xi32>
      %ge3A_760 = arith.constant 16 : i32
      %ge3A_761 = vector.broadcast %ge3A_760 : i32 to vector<16xi32>
      %ge3A_762 = arith.cmpi sge, %max3A_748, %ge3A_761 : vector<16xi32>
      %jit3A_763 = arith.constant 1 : i32
      %jit3A_764 = arith.constant 0 : i32
      %broadcast_in_dim3A_765 = vector.broadcast %jit3A_763 : i32 to vector<16xi32>
      %broadcast_in_dim3A_766 = vector.broadcast %jit3A_764 : i32 to vector<16xi32>
      %select_n3A_767 = arith.select %ge3A_762, %broadcast_in_dim3A_765, %broadcast_in_dim3A_766 : vector<16xi1>, vector<16xi32>
      %add3A_768 = arith.addi %add3A_759, %select_n3A_767 : vector<16xi32>
      %ge3A_769 = arith.constant 32 : i32
      %ge3A_770 = vector.broadcast %ge3A_769 : i32 to vector<16xi32>
      %ge3A_771 = arith.cmpi sge, %max3A_748, %ge3A_770 : vector<16xi32>
      %jit3A_772 = arith.constant 1 : i32
      %jit3A_773 = arith.constant 0 : i32
      %broadcast_in_dim3A_774 = vector.broadcast %jit3A_772 : i32 to vector<16xi32>
      %broadcast_in_dim3A_775 = vector.broadcast %jit3A_773 : i32 to vector<16xi32>
      %select_n3A_776 = arith.select %ge3A_771, %broadcast_in_dim3A_774, %broadcast_in_dim3A_775 : vector<16xi1>, vector<16xi32>
      %add3A_777 = arith.addi %add3A_768, %select_n3A_776 : vector<16xi32>
      %ge3A_778 = arith.constant 64 : i32
      %ge3A_779 = vector.broadcast %ge3A_778 : i32 to vector<16xi32>
      %ge3A_780 = arith.cmpi sge, %max3A_748, %ge3A_779 : vector<16xi32>
      %jit3A_781 = arith.constant 1 : i32
      %jit3A_782 = arith.constant 0 : i32
      %broadcast_in_dim3A_783 = vector.broadcast %jit3A_781 : i32 to vector<16xi32>
      %broadcast_in_dim3A_784 = vector.broadcast %jit3A_782 : i32 to vector<16xi32>
      %select_n3A_785 = arith.select %ge3A_780, %broadcast_in_dim3A_783, %broadcast_in_dim3A_784 : vector<16xi1>, vector<16xi32>
      %add3A_786 = arith.addi %add3A_777, %select_n3A_785 : vector<16xi32>
      %lt3A_787 = arith.constant 5 : i32
      %lt3A_788 = vector.broadcast %lt3A_787 : i32 to vector<16xi32>
      %lt3A_789 = arith.cmpi slt, %max3A_748, %lt3A_788 : vector<16xi32>
      %sub3A_790 = arith.constant 1 : i32
      %sub3A_791 = vector.broadcast %sub3A_790 : i32 to vector<16xi32>
      %sub3A_792 = arith.subi %max3A_748, %sub3A_791 : vector<16xi32>
      %select_n3A_793 = arith.select %lt3A_789, %sub3A_792, %add3A_786 : vector<16xi1>, vector<16xi32>
      %add3A_794 = arith.addi %mul3A_744, %select_n3A_793 : vector<16xi32>
      %add3A_795 = vector.broadcast %mul3A_22 : i32 to vector<16xi32>
      %add3A_796 = arith.addi %add3A_794, %add3A_795 : vector<16xi32>
      %swap3A_797 = arith.constant 80 : index
      %swap3A_798 = tpu.vector_load %arg17[%swap3A_797] {strides = array<i32>} : memref<128xi32, #tpu.memory_space<vmem>>, vector<16xi32>,
      tpu.vector_store %arg17[%swap3A_797], %add3A_796 {strides = array<i32>} : memref<128xi32, #tpu.memory_space<vmem>>, vector<16xi32>,
      %mul3A_799 = arith.constant 128 : i32
      %mul3A_800 = arith.muli %mul3A_42, %mul3A_799 : i32
      %add3A_801 = arith.constant 96 : i32
      %add3A_802 = arith.addi %mul3A_800, %add3A_801 : i32
      %mul3A_803 = arith.constant 2 : i32
      %mul3A_804 = arith.muli %mul3A_803, %add3A_802 : i32
      %add3A_805 = vector.broadcast %mul3A_804 : i32 to vector<16xi32>
      %add3A_806 = arith.addi %add3A_805, %mul3A_3 : vector<16xi32>
      %gather3A_807 = tpu.vector_load_idx %arg12[%add3A_806] : memref<1024xi32, #tpu.memory_space<vmem>>[vector<16xi32>], vector<16xi32>,
      %mul3A_808 = arith.constant 2 : i32
      %mul3A_809 = arith.muli %mul3A_808, %add3A_802 : i32
      %add3A_810 = vector.broadcast %mul3A_809 : i32 to vector<16xi32>
      %add3A_811 = arith.addi %add3A_810, %mul3A_3 : vector<16xi32>
      %add3A_812 = arith.constant 1 : i32
      %add3A_813 = vector.broadcast %add3A_812 : i32 to vector<16xi32>
      %add3A_814 = arith.addi %add3A_811, %add3A_813 : vector<16xi32>
      %gather3A_815 = tpu.vector_load_idx %arg12[%add3A_814] : memref<1024xi32, #tpu.memory_space<vmem>>[vector<16xi32>], vector<16xi32>,
      %get3A_816 = arith.index_cast %add3A_802 : i32 to index
      %get3A_817 = tpu.vector_load %arg13[%get3A_816] {strides = array<i32>} : memref<512xi32, #tpu.memory_space<vmem>>, vector<16xi32>,
      %get3A_818 = arith.index_cast %add3A_802 : i32 to index
      %get3A_819 = tpu.vector_load %arg14[%get3A_818] {strides = array<i32>} : memref<512xi32, #tpu.memory_space<vmem>>, vector<16xi32>,
      %sub3A_820 = arith.subi %get3A_817, %gather3A_807 : vector<16xi32>
      %max3A_821 = arith.constant 1 : i32
      %max3A_822 = vector.broadcast %max3A_821 : i32 to vector<16xi32>
      %max3A_823 = arith.maxsi %sub3A_820, %max3A_822 : vector<16xi32>
      %ge3A_824 = arith.constant 8 : i32
      %ge3A_825 = vector.broadcast %ge3A_824 : i32 to vector<16xi32>
      %ge3A_826 = arith.cmpi sge, %max3A_823, %ge3A_825 : vector<16xi32>
      %jit3A_827 = arith.constant 1 : i32
      %jit3A_828 = arith.constant 0 : i32
      %broadcast_in_dim3A_829 = vector.broadcast %jit3A_827 : i32 to vector<16xi32>
      %broadcast_in_dim3A_830 = vector.broadcast %jit3A_828 : i32 to vector<16xi32>
      %select_n3A_831 = arith.select %ge3A_826, %broadcast_in_dim3A_829, %broadcast_in_dim3A_830 : vector<16xi1>, vector<16xi32>
      %add3A_832 = arith.constant 4 : i32
      %add3A_833 = vector.broadcast %add3A_832 : i32 to vector<16xi32>
      %add3A_834 = arith.addi %add3A_833, %select_n3A_831 : vector<16xi32>
      %ge3A_835 = arith.constant 16 : i32
      %ge3A_836 = vector.broadcast %ge3A_835 : i32 to vector<16xi32>
      %ge3A_837 = arith.cmpi sge, %max3A_823, %ge3A_836 : vector<16xi32>
      %jit3A_838 = arith.constant 1 : i32
      %jit3A_839 = arith.constant 0 : i32
      %broadcast_in_dim3A_840 = vector.broadcast %jit3A_838 : i32 to vector<16xi32>
      %broadcast_in_dim3A_841 = vector.broadcast %jit3A_839 : i32 to vector<16xi32>
      %select_n3A_842 = arith.select %ge3A_837, %broadcast_in_dim3A_840, %broadcast_in_dim3A_841 : vector<16xi1>, vector<16xi32>
      %add3A_843 = arith.addi %add3A_834, %select_n3A_842 : vector<16xi32>
      %ge3A_844 = arith.constant 32 : i32
      %ge3A_845 = vector.broadcast %ge3A_844 : i32 to vector<16xi32>
      %ge3A_846 = arith.cmpi sge, %max3A_823, %ge3A_845 : vector<16xi32>
      %jit3A_847 = arith.constant 1 : i32
      %jit3A_848 = arith.constant 0 : i32
      %broadcast_in_dim3A_849 = vector.broadcast %jit3A_847 : i32 to vector<16xi32>
      %broadcast_in_dim3A_850 = vector.broadcast %jit3A_848 : i32 to vector<16xi32>
      %select_n3A_851 = arith.select %ge3A_846, %broadcast_in_dim3A_849, %broadcast_in_dim3A_850 : vector<16xi1>, vector<16xi32>
      %add3A_852 = arith.addi %add3A_843, %select_n3A_851 : vector<16xi32>
      %ge3A_853 = arith.constant 64 : i32
      %ge3A_854 = vector.broadcast %ge3A_853 : i32 to vector<16xi32>
      %ge3A_855 = arith.cmpi sge, %max3A_823, %ge3A_854 : vector<16xi32>
      %jit3A_856 = arith.constant 1 : i32
      %jit3A_857 = arith.constant 0 : i32
      %broadcast_in_dim3A_858 = vector.broadcast %jit3A_856 : i32 to vector<16xi32>
      %broadcast_in_dim3A_859 = vector.broadcast %jit3A_857 : i32 to vector<16xi32>
      %select_n3A_860 = arith.select %ge3A_855, %broadcast_in_dim3A_858, %broadcast_in_dim3A_859 : vector<16xi1>, vector<16xi32>
      %add3A_861 = arith.addi %add3A_852, %select_n3A_860 : vector<16xi32>
      %lt3A_862 = arith.constant 5 : i32
      %lt3A_863 = vector.broadcast %lt3A_862 : i32 to vector<16xi32>
      %lt3A_864 = arith.cmpi slt, %max3A_823, %lt3A_863 : vector<16xi32>
      %sub3A_865 = arith.constant 1 : i32
      %sub3A_866 = vector.broadcast %sub3A_865 : i32 to vector<16xi32>
      %sub3A_867 = arith.subi %max3A_823, %sub3A_866 : vector<16xi32>
      %select_n3A_868 = arith.select %lt3A_864, %sub3A_867, %add3A_861 : vector<16xi1>, vector<16xi32>
      %mul3A_869 = arith.constant 9 : i32
      %mul3A_870 = vector.broadcast %mul3A_869 : i32 to vector<16xi32>
      %mul3A_871 = arith.muli %select_n3A_868, %mul3A_870 : vector<16xi32>
      %sub3A_872 = arith.subi %get3A_819, %gather3A_815 : vector<16xi32>
      %max3A_873 = arith.constant 1 : i32
      %max3A_874 = vector.broadcast %max3A_873 : i32 to vector<16xi32>
      %max3A_875 = arith.maxsi %sub3A_872, %max3A_874 : vector<16xi32>
      %ge3A_876 = arith.constant 8 : i32
      %ge3A_877 = vector.broadcast %ge3A_876 : i32 to vector<16xi32>
      %ge3A_878 = arith.cmpi sge, %max3A_875, %ge3A_877 : vector<16xi32>
      %jit3A_879 = arith.constant 1 : i32
      %jit3A_880 = arith.constant 0 : i32
      %broadcast_in_dim3A_881 = vector.broadcast %jit3A_879 : i32 to vector<16xi32>
      %broadcast_in_dim3A_882 = vector.broadcast %jit3A_880 : i32 to vector<16xi32>
      %select_n3A_883 = arith.select %ge3A_878, %broadcast_in_dim3A_881, %broadcast_in_dim3A_882 : vector<16xi1>, vector<16xi32>
      %add3A_884 = arith.constant 4 : i32
      %add3A_885 = vector.broadcast %add3A_884 : i32 to vector<16xi32>
      %add3A_886 = arith.addi %add3A_885, %select_n3A_883 : vector<16xi32>
      %ge3A_887 = arith.constant 16 : i32
      %ge3A_888 = vector.broadcast %ge3A_887 : i32 to vector<16xi32>
      %ge3A_889 = arith.cmpi sge, %max3A_875, %ge3A_888 : vector<16xi32>
      %jit3A_890 = arith.constant 1 : i32
      %jit3A_891 = arith.constant 0 : i32
      %broadcast_in_dim3A_892 = vector.broadcast %jit3A_890 : i32 to vector<16xi32>
      %broadcast_in_dim3A_893 = vector.broadcast %jit3A_891 : i32 to vector<16xi32>
      %select_n3A_894 = arith.select %ge3A_889, %broadcast_in_dim3A_892, %broadcast_in_dim3A_893 : vector<16xi1>, vector<16xi32>
      %add3A_895 = arith.addi %add3A_886, %select_n3A_894 : vector<16xi32>
      %ge3A_896 = arith.constant 32 : i32
      %ge3A_897 = vector.broadcast %ge3A_896 : i32 to vector<16xi32>
      %ge3A_898 = arith.cmpi sge, %max3A_875, %ge3A_897 : vector<16xi32>
      %jit3A_899 = arith.constant 1 : i32
      %jit3A_900 = arith.constant 0 : i32
      %broadcast_in_dim3A_901 = vector.broadcast %jit3A_899 : i32 to vector<16xi32>
      %broadcast_in_dim3A_902 = vector.broadcast %jit3A_900 : i32 to vector<16xi32>
      %select_n3A_903 = arith.select %ge3A_898, %broadcast_in_dim3A_901, %broadcast_in_dim3A_902 : vector<16xi1>, vector<16xi32>
      %add3A_904 = arith.addi %add3A_895, %select_n3A_903 : vector<16xi32>
      %ge3A_905 = arith.constant 64 : i32
      %ge3A_906 = vector.broadcast %ge3A_905 : i32 to vector<16xi32>
      %ge3A_907 = arith.cmpi sge, %max3A_875, %ge3A_906 : vector<16xi32>
      %jit3A_908 = arith.constant 1 : i32
      %jit3A_909 = arith.constant 0 : i32
      %broadcast_in_dim3A_910 = vector.broadcast %jit3A_908 : i32 to vector<16xi32>
      %broadcast_in_dim3A_911 = vector.broadcast %jit3A_909 : i32 to vector<16xi32>
      %select_n3A_912 = arith.select %ge3A_907, %broadcast_in_dim3A_910, %broadcast_in_dim3A_911 : vector<16xi1>, vector<16xi32>
      %add3A_913 = arith.addi %add3A_904, %select_n3A_912 : vector<16xi32>
      %lt3A_914 = arith.constant 5 : i32
      %lt3A_915 = vector.broadcast %lt3A_914 : i32 to vector<16xi32>
      %lt3A_916 = arith.cmpi slt, %max3A_875, %lt3A_915 : vector<16xi32>
      %sub3A_917 = arith.constant 1 : i32
      %sub3A_918 = vector.broadcast %sub3A_917 : i32 to vector<16xi32>
      %sub3A_919 = arith.subi %max3A_875, %sub3A_918 : vector<16xi32>
      %select_n3A_920 = arith.select %lt3A_916, %sub3A_919, %add3A_913 : vector<16xi1>, vector<16xi32>
      %add3A_921 = arith.addi %mul3A_871, %select_n3A_920 : vector<16xi32>
      %add3A_922 = vector.broadcast %mul3A_22 : i32 to vector<16xi32>
      %add3A_923 = arith.addi %add3A_921, %add3A_922 : vector<16xi32>
      %swap3A_924 = arith.constant 96 : index
      %swap3A_925 = tpu.vector_load %arg17[%swap3A_924] {strides = array<i32>} : memref<128xi32, #tpu.memory_space<vmem>>, vector<16xi32>,
      tpu.vector_store %arg17[%swap3A_924], %add3A_923 {strides = array<i32>} : memref<128xi32, #tpu.memory_space<vmem>>, vector<16xi32>,
      %mul3A_926 = arith.constant 128 : i32
      %mul3A_927 = arith.muli %mul3A_42, %mul3A_926 : i32
      %add3A_928 = arith.constant 112 : i32
      %add3A_929 = arith.addi %mul3A_927, %add3A_928 : i32
      %mul3A_930 = arith.constant 2 : i32
      %mul3A_931 = arith.muli %mul3A_930, %add3A_929 : i32
      %add3A_932 = vector.broadcast %mul3A_931 : i32 to vector<16xi32>
      %add3A_933 = arith.addi %add3A_932, %mul3A_3 : vector<16xi32>
      %gather3A_934 = tpu.vector_load_idx %arg12[%add3A_933] : memref<1024xi32, #tpu.memory_space<vmem>>[vector<16xi32>], vector<16xi32>,
      %mul3A_935 = arith.constant 2 : i32
      %mul3A_936 = arith.muli %mul3A_935, %add3A_929 : i32
      %add3A_937 = vector.broadcast %mul3A_936 : i32 to vector<16xi32>
      %add3A_938 = arith.addi %add3A_937, %mul3A_3 : vector<16xi32>
      %add3A_939 = arith.constant 1 : i32
      %add3A_940 = vector.broadcast %add3A_939 : i32 to vector<16xi32>
      %add3A_941 = arith.addi %add3A_938, %add3A_940 : vector<16xi32>
      %gather3A_942 = tpu.vector_load_idx %arg12[%add3A_941] : memref<1024xi32, #tpu.memory_space<vmem>>[vector<16xi32>], vector<16xi32>,
      %get3A_943 = arith.index_cast %add3A_929 : i32 to index
      %get3A_944 = tpu.vector_load %arg13[%get3A_943] {strides = array<i32>} : memref<512xi32, #tpu.memory_space<vmem>>, vector<16xi32>,
      %get3A_945 = arith.index_cast %add3A_929 : i32 to index
      %get3A_946 = tpu.vector_load %arg14[%get3A_945] {strides = array<i32>} : memref<512xi32, #tpu.memory_space<vmem>>, vector<16xi32>,
      %sub3A_947 = arith.subi %get3A_944, %gather3A_934 : vector<16xi32>
      %max3A_948 = arith.constant 1 : i32
      %max3A_949 = vector.broadcast %max3A_948 : i32 to vector<16xi32>
      %max3A_950 = arith.maxsi %sub3A_947, %max3A_949 : vector<16xi32>
      %ge3A_951 = arith.constant 8 : i32
      %ge3A_952 = vector.broadcast %ge3A_951 : i32 to vector<16xi32>
      %ge3A_953 = arith.cmpi sge, %max3A_950, %ge3A_952 : vector<16xi32>
      %jit3A_954 = arith.constant 1 : i32
      %jit3A_955 = arith.constant 0 : i32
      %broadcast_in_dim3A_956 = vector.broadcast %jit3A_954 : i32 to vector<16xi32>
      %broadcast_in_dim3A_957 = vector.broadcast %jit3A_955 : i32 to vector<16xi32>
      %select_n3A_958 = arith.select %ge3A_953, %broadcast_in_dim3A_956, %broadcast_in_dim3A_957 : vector<16xi1>, vector<16xi32>
      %add3A_959 = arith.constant 4 : i32
      %add3A_960 = vector.broadcast %add3A_959 : i32 to vector<16xi32>
      %add3A_961 = arith.addi %add3A_960, %select_n3A_958 : vector<16xi32>
      %ge3A_962 = arith.constant 16 : i32
      %ge3A_963 = vector.broadcast %ge3A_962 : i32 to vector<16xi32>
      %ge3A_964 = arith.cmpi sge, %max3A_950, %ge3A_963 : vector<16xi32>
      %jit3A_965 = arith.constant 1 : i32
      %jit3A_966 = arith.constant 0 : i32
      %broadcast_in_dim3A_967 = vector.broadcast %jit3A_965 : i32 to vector<16xi32>
      %broadcast_in_dim3A_968 = vector.broadcast %jit3A_966 : i32 to vector<16xi32>
      %select_n3A_969 = arith.select %ge3A_964, %broadcast_in_dim3A_967, %broadcast_in_dim3A_968 : vector<16xi1>, vector<16xi32>
      %add3A_970 = arith.addi %add3A_961, %select_n3A_969 : vector<16xi32>
      %ge3A_971 = arith.constant 32 : i32
      %ge3A_972 = vector.broadcast %ge3A_971 : i32 to vector<16xi32>
      %ge3A_973 = arith.cmpi sge, %max3A_950, %ge3A_972 : vector<16xi32>
      %jit3A_974 = arith.constant 1 : i32
      %jit3A_975 = arith.constant 0 : i32
      %broadcast_in_dim3A_976 = vector.broadcast %jit3A_974 : i32 to vector<16xi32>
      %broadcast_in_dim3A_977 = vector.broadcast %jit3A_975 : i32 to vector<16xi32>
      %select_n3A_978 = arith.select %ge3A_973, %broadcast_in_dim3A_976, %broadcast_in_dim3A_977 : vector<16xi1>, vector<16xi32>
      %add3A_979 = arith.addi %add3A_970, %select_n3A_978 : vector<16xi32>
      %ge3A_980 = arith.constant 64 : i32
      %ge3A_981 = vector.broadcast %ge3A_980 : i32 to vector<16xi32>
      %ge3A_982 = arith.cmpi sge, %max3A_950, %ge3A_981 : vector<16xi32>
      %jit3A_983 = arith.constant 1 : i32
      %jit3A_984 = arith.constant 0 : i32
      %broadcast_in_dim3A_985 = vector.broadcast %jit3A_983 : i32 to vector<16xi32>
      %broadcast_in_dim3A_986 = vector.broadcast %jit3A_984 : i32 to vector<16xi32>
      %select_n3A_987 = arith.select %ge3A_982, %broadcast_in_dim3A_985, %broadcast_in_dim3A_986 : vector<16xi1>, vector<16xi32>
      %add3A_988 = arith.addi %add3A_979, %select_n3A_987 : vector<16xi32>
      %lt3A_989 = arith.constant 5 : i32
      %lt3A_990 = vector.broadcast %lt3A_989 : i32 to vector<16xi32>
      %lt3A_991 = arith.cmpi slt, %max3A_950, %lt3A_990 : vector<16xi32>
      %sub3A_992 = arith.constant 1 : i32
      %sub3A_993 = vector.broadcast %sub3A_992 : i32 to vector<16xi32>
      %sub3A_994 = arith.subi %max3A_950, %sub3A_993 : vector<16xi32>
      %select_n3A_995 = arith.select %lt3A_991, %sub3A_994, %add3A_988 : vector<16xi1>, vector<16xi32>
      %mul3A_996 = arith.constant 9 : i32
      %mul3A_997 = vector.broadcast %mul3A_996 : i32 to vector<16xi32>
      %mul3A_998 = arith.muli %select_n3A_995, %mul3A_997 : vector<16xi32>
      %sub3A_999 = arith.subi %get3A_946, %gather3A_942 : vector<16xi32>
      %max3A_1000 = arith.constant 1 : i32
      %max3A_1001 = vector.broadcast %max3A_1000 : i32 to vector<16xi32>
      %max3A_1002 = arith.maxsi %sub3A_999, %max3A_1001 : vector<16xi32>
      %ge3A_1003 = arith.constant 8 : i32
      %ge3A_1004 = vector.broadcast %ge3A_1003 : i32 to vector<16xi32>
      %ge3A_1005 = arith.cmpi sge, %max3A_1002, %ge3A_1004 : vector<16xi32>
      %jit3A_1006 = arith.constant 1 : i32
      %jit3A_1007 = arith.constant 0 : i32
      %broadcast_in_dim3A_1008 = vector.broadcast %jit3A_1006 : i32 to vector<16xi32>
      %broadcast_in_dim3A_1009 = vector.broadcast %jit3A_1007 : i32 to vector<16xi32>
      %select_n3A_1010 = arith.select %ge3A_1005, %broadcast_in_dim3A_1008, %broadcast_in_dim3A_1009 : vector<16xi1>, vector<16xi32>
      %add3A_1011 = arith.constant 4 : i32
      %add3A_1012 = vector.broadcast %add3A_1011 : i32 to vector<16xi32>
      %add3A_1013 = arith.addi %add3A_1012, %select_n3A_1010 : vector<16xi32>
      %ge3A_1014 = arith.constant 16 : i32
      %ge3A_1015 = vector.broadcast %ge3A_1014 : i32 to vector<16xi32>
      %ge3A_1016 = arith.cmpi sge, %max3A_1002, %ge3A_1015 : vector<16xi32>
      %jit3A_1017 = arith.constant 1 : i32
      %jit3A_1018 = arith.constant 0 : i32
      %broadcast_in_dim3A_1019 = vector.broadcast %jit3A_1017 : i32 to vector<16xi32>
      %broadcast_in_dim3A_1020 = vector.broadcast %jit3A_1018 : i32 to vector<16xi32>
      %select_n3A_1021 = arith.select %ge3A_1016, %broadcast_in_dim3A_1019, %broadcast_in_dim3A_1020 : vector<16xi1>, vector<16xi32>
      %add3A_1022 = arith.addi %add3A_1013, %select_n3A_1021 : vector<16xi32>
      %ge3A_1023 = arith.constant 32 : i32
      %ge3A_1024 = vector.broadcast %ge3A_1023 : i32 to vector<16xi32>
      %ge3A_1025 = arith.cmpi sge, %max3A_1002, %ge3A_1024 : vector<16xi32>
      %jit3A_1026 = arith.constant 1 : i32
      %jit3A_1027 = arith.constant 0 : i32
      %broadcast_in_dim3A_1028 = vector.broadcast %jit3A_1026 : i32 to vector<16xi32>
      %broadcast_in_dim3A_1029 = vector.broadcast %jit3A_1027 : i32 to vector<16xi32>
      %select_n3A_1030 = arith.select %ge3A_1025, %broadcast_in_dim3A_1028, %broadcast_in_dim3A_1029 : vector<16xi1>, vector<16xi32>
      %add3A_1031 = arith.addi %add3A_1022, %select_n3A_1030 : vector<16xi32>
      %ge3A_1032 = arith.constant 64 : i32
      %ge3A_1033 = vector.broadcast %ge3A_1032 : i32 to vector<16xi32>
      %ge3A_1034 = arith.cmpi sge, %max3A_1002, %ge3A_1033 : vector<16xi32>
      %jit3A_1035 = arith.constant 1 : i32
      %jit3A_1036 = arith.constant 0 : i32
      %broadcast_in_dim3A_1037 = vector.broadcast %jit3A_1035 : i32 to vector<16xi32>
      %broadcast_in_dim3A_1038 = vector.broadcast %jit3A_1036 : i32 to vector<16xi32>
      %select_n3A_1039 = arith.select %ge3A_1034, %broadcast_in_dim3A_1037, %broadcast_in_dim3A_1038 : vector<16xi1>, vector<16xi32>
      %add3A_1040 = arith.addi %add3A_1031, %select_n3A_1039 : vector<16xi32>
      %lt3A_1041 = arith.constant 5 : i32
      %lt3A_1042 = vector.broadcast %lt3A_1041 : i32 to vector<16xi32>
      %lt3A_1043 = arith.cmpi slt, %max3A_1002, %lt3A_1042 : vector<16xi32>
      %sub3A_1044 = arith.constant 1 : i32
      %sub3A_1045 = vector.broadcast %sub3A_1044 : i32 to vector<16xi32>
      %sub3A_1046 = arith.subi %max3A_1002, %sub3A_1045 : vector<16xi32>
      %select_n3A_1047 = arith.select %lt3A_1043, %sub3A_1046, %add3A_1040 : vector<16xi1>, vector<16xi32>
      %add3A_1048 = arith.addi %mul3A_998, %select_n3A_1047 : vector<16xi32>
      %add3A_1049 = vector.broadcast %mul3A_22 : i32 to vector<16xi32>
      %add3A_1050 = arith.addi %add3A_1048, %add3A_1049 : vector<16xi32>
      %swap3A_1051 = arith.constant 112 : index
      %swap3A_1052 = tpu.vector_load %arg17[%swap3A_1051] {strides = array<i32>} : memref<128xi32, #tpu.memory_space<vmem>>, vector<16xi32>,
      tpu.vector_store %arg17[%swap3A_1051], %add3A_1050 {strides = array<i32>} : memref<128xi32, #tpu.memory_space<vmem>>, vector<16xi32>,
      %ge3A_1053 = arith.constant 1 : i32
      %ge3A_1054 = arith.cmpi sge, %scan3A_40, %ge3A_1053 : i32
      %convert_element_type3A = arith.extui %ge3A_1054 : i1 to i32
      %cond3A = arith.constant 0 : i32
      %cond3A_1055 = arith.cmpi ne, %convert_element_type3A, %cond3A : i32
      scf.if %cond3A_1055 {
        %sub3A_1086 = arith.constant 2 : i32
        %sub3A_1087 = arith.subi %mul3A_42, %sub3A_1086 : i32
        %mul3A_1088 = arith.constant 128 : i32
        %mul3A_1089 = arith.muli %sub3A_1087, %mul3A_1088 : i32
        %add3A_1090 = arith.addi %add3A_16, %mul3A_1089 : i32
        %dma_wait3A_1091 = arith.constant 0 : i32
        %dma_wait3A_1092 = tpu.memref_slice %arg6[%add3A_1090, %dma_wait3A_1091] : memref<204800x128xf32, #tpu.memory_space<hbm>> -> memref<128x128xf32, #tpu.memory_space<hbm>>
        %dma_wait3A_1093 = arith.constant 0 : i32
        %dma_wait3A_1094 = tpu.memref_slice %arg6[%add3A_1090, %dma_wait3A_1093] : memref<204800x128xf32, #tpu.memory_space<hbm>> -> memref<128x128xf32, #tpu.memory_space<hbm>>
        tpu.wait_dma2 semaphore(%arg21 : memref<!tpu.dma_semaphore, #tpu.memory_space<semaphore_mem>>) src(%arg18 : memref<128x128xf32, #tpu.memory_space<vmem>>) dst(%dma_wait3A_1094 : memref<128x128xf32, #tpu.memory_space<hbm>>)
      } else {
      }
      %dma_start3A = arith.constant 0 : i32
      %dma_start3A_1056 = arith.constant 0 : i32
      %dma_start3A_1057 = tpu.memref_slice %arg16[%dma_start3A, %dma_start3A_1056] : memref<1296x128xf32, #tpu.memory_space<vmem_shared>> -> memref<1296x128xf32, #tpu.memory_space<vmem_shared>>
      tpu.enqueue_indirect_dma source(%dma_start3A_1057 : memref<1296x128xf32, #tpu.memory_space<vmem_shared>>) target(%arg18 : memref<128x128xf32, #tpu.memory_space<vmem>>) offsets(%arg17 : memref<128xi32, #tpu.memory_space<vmem>>) semaphore(%arg20 : memref<!tpu.dma_semaphore, #tpu.memory_space<semaphore_mem>>)
      %ge3A_1058 = arith.constant 1 : i32
      %ge3A_1059 = arith.cmpi sge, %scan3A_40, %ge3A_1058 : i32
      %convert_element_type3A_1060 = arith.extui %ge3A_1059 : i1 to i32
      %cond3A_1061 = arith.constant 0 : i32
      %cond3A_1062 = arith.cmpi ne, %convert_element_type3A_1060, %cond3A_1061 : i32
      scf.if %cond3A_1062 {
        %sub3A_1086 = arith.constant 2 : i32
        %sub3A_1087 = arith.subi %add3A_46, %sub3A_1086 : i32
        %mul3A_1088 = arith.constant 128 : i32
        %mul3A_1089 = arith.muli %sub3A_1087, %mul3A_1088 : i32
        %add3A_1090 = arith.addi %add3A_16, %mul3A_1089 : i32
        %dma_wait3A_1091 = arith.constant 0 : i32
        %dma_wait3A_1092 = tpu.memref_slice %arg6[%add3A_1090, %dma_wait3A_1091] : memref<204800x128xf32, #tpu.memory_space<hbm>> -> memref<128x128xf32, #tpu.memory_space<hbm>>
        %dma_wait3A_1093 = arith.constant 0 : i32
        %dma_wait3A_1094 = tpu.memref_slice %arg6[%add3A_1090, %dma_wait3A_1093] : memref<204800x128xf32, #tpu.memory_space<hbm>> -> memref<128x128xf32, #tpu.memory_space<hbm>>
        tpu.wait_dma2 semaphore(%arg22 : memref<!tpu.dma_semaphore, #tpu.memory_space<semaphore_mem>>) src(%arg19 : memref<128x128xf32, #tpu.memory_space<vmem>>) dst(%dma_wait3A_1094 : memref<128x128xf32, #tpu.memory_space<hbm>>)
      } else {
      }
      %scan3A_1063 = arith.constant 0 : i32
      %scan3A_1064 = arith.constant 0 : i32
      %scan3A_1065 = arith.constant 8 : i32
      %scan3A_1066 = arith.addi %scan3A_1064, %scan3A_1065 : i32
      %scan3A_1067 = arith.constant 1 : i32
      scf.for %scan3A_1086 = %scan3A_1064 to %scan3A_1066 step %scan3A_1067  : i32 {
        %mul3A_1087 = arith.constant 128 : i32
        %mul3A_1088 = arith.muli %add3A_46, %mul3A_1087 : i32
        %mul3A_1089 = arith.constant 16 : i32
        %mul3A_1090 = arith.muli %scan3A_1086, %mul3A_1089 : i32
        %add3A_1091 = arith.addi %mul3A_1088, %mul3A_1090 : i32
        %mul3A_1092 = arith.constant 2 : i32
        %mul3A_1093 = arith.muli %mul3A_1092, %add3A_1091 : i32
        %add3A_1094 = vector.broadcast %mul3A_1093 : i32 to vector<16xi32>
        %add3A_1095 = arith.addi %add3A_1094, %mul3A_3 : vector<16xi32>
        %gather3A_1096 = tpu.vector_load_idx %arg12[%add3A_1095] : memref<1024xi32, #tpu.memory_space<vmem>>[vector<16xi32>], vector<16xi32>,
        %mul3A_1097 = arith.constant 2 : i32
        %mul3A_1098 = arith.muli %mul3A_1097, %add3A_1091 : i32
        %add3A_1099 = vector.broadcast %mul3A_1098 : i32 to vector<16xi32>
        %add3A_1100 = arith.addi %add3A_1099, %mul3A_3 : vector<16xi32>
        %add3A_1101 = arith.constant 1 : i32
        %add3A_1102 = vector.broadcast %add3A_1101 : i32 to vector<16xi32>
        %add3A_1103 = arith.addi %add3A_1100, %add3A_1102 : vector<16xi32>
        %gather3A_1104 = tpu.vector_load_idx %arg12[%add3A_1103] : memref<1024xi32, #tpu.memory_space<vmem>>[vector<16xi32>], vector<16xi32>,
        %get3A_1105 = arith.index_cast %add3A_1091 : i32 to index
        %get3A_1106 = tpu.vector_load %arg13[%get3A_1105] {strides = array<i32>} : memref<512xi32, #tpu.memory_space<vmem>>, vector<16xi32>,
        %get3A_1107 = arith.index_cast %add3A_1091 : i32 to index
        %get3A_1108 = tpu.vector_load %arg14[%get3A_1107] {strides = array<i32>} : memref<512xi32, #tpu.memory_space<vmem>>, vector<16xi32>,
        %sub3A_1109 = arith.subi %get3A_1106, %gather3A_1096 : vector<16xi32>
        %max3A_1110 = arith.constant 1 : i32
        %max3A_1111 = vector.broadcast %max3A_1110 : i32 to vector<16xi32>
        %max3A_1112 = arith.maxsi %sub3A_1109, %max3A_1111 : vector<16xi32>
        %ge3A_1113 = arith.constant 8 : i32
        %ge3A_1114 = vector.broadcast %ge3A_1113 : i32 to vector<16xi32>
        %ge3A_1115 = arith.cmpi sge, %max3A_1112, %ge3A_1114 : vector<16xi32>
        %jit3A_1116 = arith.constant 1 : i32
        %jit3A_1117 = arith.constant 0 : i32
        %broadcast_in_dim3A_1118 = vector.broadcast %jit3A_1116 : i32 to vector<16xi32>
        %broadcast_in_dim3A_1119 = vector.broadcast %jit3A_1117 : i32 to vector<16xi32>
        %select_n3A_1120 = arith.select %ge3A_1115, %broadcast_in_dim3A_1118, %broadcast_in_dim3A_1119 : vector<16xi1>, vector<16xi32>
        %add3A_1121 = arith.constant 4 : i32
        %add3A_1122 = vector.broadcast %add3A_1121 : i32 to vector<16xi32>
        %add3A_1123 = arith.addi %add3A_1122, %select_n3A_1120 : vector<16xi32>
        %ge3A_1124 = arith.constant 16 : i32
        %ge3A_1125 = vector.broadcast %ge3A_1124 : i32 to vector<16xi32>
        %ge3A_1126 = arith.cmpi sge, %max3A_1112, %ge3A_1125 : vector<16xi32>
        %jit3A_1127 = arith.constant 1 : i32
        %jit3A_1128 = arith.constant 0 : i32
        %broadcast_in_dim3A_1129 = vector.broadcast %jit3A_1127 : i32 to vector<16xi32>
        %broadcast_in_dim3A_1130 = vector.broadcast %jit3A_1128 : i32 to vector<16xi32>
        %select_n3A_1131 = arith.select %ge3A_1126, %broadcast_in_dim3A_1129, %broadcast_in_dim3A_1130 : vector<16xi1>, vector<16xi32>
        %add3A_1132 = arith.addi %add3A_1123, %select_n3A_1131 : vector<16xi32>
        %ge3A_1133 = arith.constant 32 : i32
        %ge3A_1134 = vector.broadcast %ge3A_1133 : i32 to vector<16xi32>
        %ge3A_1135 = arith.cmpi sge, %max3A_1112, %ge3A_1134 : vector<16xi32>
        %jit3A_1136 = arith.constant 1 : i32
        %jit3A_1137 = arith.constant 0 : i32
        %broadcast_in_dim3A_1138 = vector.broadcast %jit3A_1136 : i32 to vector<16xi32>
        %broadcast_in_dim3A_1139 = vector.broadcast %jit3A_1137 : i32 to vector<16xi32>
        %select_n3A_1140 = arith.select %ge3A_1135, %broadcast_in_dim3A_1138, %broadcast_in_dim3A_1139 : vector<16xi1>, vector<16xi32>
        %add3A_1141 = arith.addi %add3A_1132, %select_n3A_1140 : vector<16xi32>
        %ge3A_1142 = arith.constant 64 : i32
        %ge3A_1143 = vector.broadcast %ge3A_1142 : i32 to vector<16xi32>
        %ge3A_1144 = arith.cmpi sge, %max3A_1112, %ge3A_1143 : vector<16xi32>
        %jit3A_1145 = arith.constant 1 : i32
        %jit3A_1146 = arith.constant 0 : i32
        %broadcast_in_dim3A_1147 = vector.broadcast %jit3A_1145 : i32 to vector<16xi32>
        %broadcast_in_dim3A_1148 = vector.broadcast %jit3A_1146 : i32 to vector<16xi32>
        %select_n3A_1149 = arith.select %ge3A_1144, %broadcast_in_dim3A_1147, %broadcast_in_dim3A_1148 : vector<16xi1>, vector<16xi32>
        %add3A_1150 = arith.addi %add3A_1141, %select_n3A_1149 : vector<16xi32>
        %lt3A_1151 = arith.constant 5 : i32
        %lt3A_1152 = vector.broadcast %lt3A_1151 : i32 to vector<16xi32>
        %lt3A_1153 = arith.cmpi slt, %max3A_1112, %lt3A_1152 : vector<16xi32>
        %sub3A_1154 = arith.constant 1 : i32
        %sub3A_1155 = vector.broadcast %sub3A_1154 : i32 to vector<16xi32>
        %sub3A_1156 = arith.subi %max3A_1112, %sub3A_1155 : vector<16xi32>
        %select_n3A_1157 = arith.select %lt3A_1153, %sub3A_1156, %add3A_1150 : vector<16xi1>, vector<16xi32>
        %mul3A_1158 = arith.constant 9 : i32
        %mul3A_1159 = vector.broadcast %mul3A_1158 : i32 to vector<16xi32>
        %mul3A_1160 = arith.muli %select_n3A_1157, %mul3A_1159 : vector<16xi32>
        %sub3A_1161 = arith.subi %get3A_1108, %gather3A_1104 : vector<16xi32>
        %max3A_1162 = arith.constant 1 : i32
        %max3A_1163 = vector.broadcast %max3A_1162 : i32 to vector<16xi32>
        %max3A_1164 = arith.maxsi %sub3A_1161, %max3A_1163 : vector<16xi32>
        %ge3A_1165 = arith.constant 8 : i32
        %ge3A_1166 = vector.broadcast %ge3A_1165 : i32 to vector<16xi32>
        %ge3A_1167 = arith.cmpi sge, %max3A_1164, %ge3A_1166 : vector<16xi32>
        %jit3A_1168 = arith.constant 1 : i32
        %jit3A_1169 = arith.constant 0 : i32
        %broadcast_in_dim3A_1170 = vector.broadcast %jit3A_1168 : i32 to vector<16xi32>
        %broadcast_in_dim3A_1171 = vector.broadcast %jit3A_1169 : i32 to vector<16xi32>
        %select_n3A_1172 = arith.select %ge3A_1167, %broadcast_in_dim3A_1170, %broadcast_in_dim3A_1171 : vector<16xi1>, vector<16xi32>
        %add3A_1173 = arith.constant 4 : i32
        %add3A_1174 = vector.broadcast %add3A_1173 : i32 to vector<16xi32>
        %add3A_1175 = arith.addi %add3A_1174, %select_n3A_1172 : vector<16xi32>
        %ge3A_1176 = arith.constant 16 : i32
        %ge3A_1177 = vector.broadcast %ge3A_1176 : i32 to vector<16xi32>
        %ge3A_1178 = arith.cmpi sge, %max3A_1164, %ge3A_1177 : vector<16xi32>
        %jit3A_1179 = arith.constant 1 : i32
        %jit3A_1180 = arith.constant 0 : i32
        %broadcast_in_dim3A_1181 = vector.broadcast %jit3A_1179 : i32 to vector<16xi32>
        %broadcast_in_dim3A_1182 = vector.broadcast %jit3A_1180 : i32 to vector<16xi32>
        %select_n3A_1183 = arith.select %ge3A_1178, %broadcast_in_dim3A_1181, %broadcast_in_dim3A_1182 : vector<16xi1>, vector<16xi32>
        %add3A_1184 = arith.addi %add3A_1175, %select_n3A_1183 : vector<16xi32>
        %ge3A_1185 = arith.constant 32 : i32
        %ge3A_1186 = vector.broadcast %ge3A_1185 : i32 to vector<16xi32>
        %ge3A_1187 = arith.cmpi sge, %max3A_1164, %ge3A_1186 : vector<16xi32>
        %jit3A_1188 = arith.constant 1 : i32
        %jit3A_1189 = arith.constant 0 : i32
        %broadcast_in_dim3A_1190 = vector.broadcast %jit3A_1188 : i32 to vector<16xi32>
        %broadcast_in_dim3A_1191 = vector.broadcast %jit3A_1189 : i32 to vector<16xi32>
        %select_n3A_1192 = arith.select %ge3A_1187, %broadcast_in_dim3A_1190, %broadcast_in_dim3A_1191 : vector<16xi1>, vector<16xi32>
        %add3A_1193 = arith.addi %add3A_1184, %select_n3A_1192 : vector<16xi32>
        %ge3A_1194 = arith.constant 64 : i32
        %ge3A_1195 = vector.broadcast %ge3A_1194 : i32 to vector<16xi32>
        %ge3A_1196 = arith.cmpi sge, %max3A_1164, %ge3A_1195 : vector<16xi32>
        %jit3A_1197 = arith.constant 1 : i32
        %jit3A_1198 = arith.constant 0 : i32
        %broadcast_in_dim3A_1199 = vector.broadcast %jit3A_1197 : i32 to vector<16xi32>
        %broadcast_in_dim3A_1200 = vector.broadcast %jit3A_1198 : i32 to vector<16xi32>
        %select_n3A_1201 = arith.select %ge3A_1196, %broadcast_in_dim3A_1199, %broadcast_in_dim3A_1200 : vector<16xi1>, vector<16xi32>
        %add3A_1202 = arith.addi %add3A_1193, %select_n3A_1201 : vector<16xi32>
        %lt3A_1203 = arith.constant 5 : i32
        %lt3A_1204 = vector.broadcast %lt3A_1203 : i32 to vector<16xi32>
        %lt3A_1205 = arith.cmpi slt, %max3A_1164, %lt3A_1204 : vector<16xi32>
        %sub3A_1206 = arith.constant 1 : i32
        %sub3A_1207 = vector.broadcast %sub3A_1206 : i32 to vector<16xi32>
        %sub3A_1208 = arith.subi %max3A_1164, %sub3A_1207 : vector<16xi32>
        %select_n3A_1209 = arith.select %lt3A_1205, %sub3A_1208, %add3A_1202 : vector<16xi1>, vector<16xi32>
        %add3A_1210 = arith.addi %mul3A_1160, %select_n3A_1209 : vector<16xi32>
        %mul3A_1211 = arith.constant 16 : i32
        %mul3A_1212 = arith.muli %scan3A_1086, %mul3A_1211 : i32
        %add3A_1213 = vector.broadcast %mul3A_1212 : i32 to vector<16xi32>
        %add3A_1214 = arith.addi %iota3A, %add3A_1213 : vector<16xi32>
        %parallel_loop3A = arith.constant 0 : i32
        %parallel_loop3A_1215 = arith.constant 128 : i32
        %parallel_loop3A_1216 = arith.constant 1 : i32
        scf.for %parallel_loop3A_1217 = %parallel_loop3A to %parallel_loop3A_1215 step %parallel_loop3A_1216  : i32 {
          %parallel_loop3A_1218 = vector.broadcast %parallel_loop3A_1217 : i32 to vector<16xi32>
          %parallel_loop3A_1219 = arith.addi %parallel_loop3A_1218, %iota3A : vector<16xi32>
          %parallel_loop3A_1220 = arith.constant 127 : i32
          %parallel_loop3A_1221 = vector.broadcast %parallel_loop3A_1220 : i32 to vector<16xi32>
          %parallel_loop3A_1222 = arith.andi %parallel_loop3A_1219, %parallel_loop3A_1221 : vector<16xi32>
          %parallel_loop3A_1223 = tpu.vector_load_idx %arg15[%add3A_1210, %parallel_loop3A_1222] : memref<81x128xf32, #tpu.memory_space<vmem>>[vector<16xi32>, vector<16xi32>], vector<16xf32>,
          tpu.vector_store_idx %arg19[%add3A_1214, %parallel_loop3A_1222], %parallel_loop3A_1223 : memref<128x128xf32, #tpu.memory_space<vmem>>[vector<16xi32>, vector<16xi32>], vector<16xf32>,
        } {sc.loop_unroll_factor = 8 : i64, sc.parallel_access}
      }
      %scan3A_1068 = arith.constant 8 : i32
      %mul3A_1069 = arith.constant 128 : i32
      %mul3A_1070 = arith.muli %add3A_46, %mul3A_1069 : i32
      %add3A_1071 = arith.addi %add3A_16, %mul3A_1070 : i32
      %dma_start3A_1072 = arith.constant 0 : i32
      %dma_start3A_1073 = tpu.memref_slice %arg6[%add3A_1071, %dma_start3A_1072] : memref<204800x128xf32, #tpu.memory_space<hbm>> -> memref<128x128xf32, #tpu.memory_space<hbm>>
      %dma_start3A_1074 = arith.constant 0 : i32
      %dma_start3A_1075 = tpu.memref_slice %arg6[%add3A_1071, %dma_start3A_1074] : memref<204800x128xf32, #tpu.memory_space<hbm>> -> memref<128x128xf32, #tpu.memory_space<hbm>>
      tpu.enqueue_dma source(%arg19 : memref<128x128xf32, #tpu.memory_space<vmem>>) target(%dma_start3A_1075 : memref<128x128xf32, #tpu.memory_space<hbm>>) target_semaphore(%arg22 : memref<!tpu.dma_semaphore, #tpu.memory_space<semaphore_mem>>)
      %dma_wait3A_1076 = arith.constant 0 : i32
      %dma_wait3A_1077 = arith.constant 0 : i32
      %dma_wait3A_1078 = tpu.memref_slice %arg16[%dma_wait3A_1076, %dma_wait3A_1077] : memref<1296x128xf32, #tpu.memory_space<vmem_shared>> -> memref<1296x128xf32, #tpu.memory_space<vmem_shared>>
      tpu.wait_indirect_dma semaphore(%arg20 : memref<!tpu.dma_semaphore, #tpu.memory_space<semaphore_mem>>) src(%dma_wait3A_1078 : memref<1296x128xf32, #tpu.memory_space<vmem_shared>>) dst(%arg18 : memref<128x128xf32, #tpu.memory_space<vmem>>)
      %mul3A_1079 = arith.constant 128 : i32
      %mul3A_1080 = arith.muli %mul3A_42, %mul3A_1079 : i32
      %add3A_1081 = arith.addi %add3A_16, %mul3A_1080 : i32
      %dma_start3A_1082 = arith.constant 0 : i32
      %dma_start3A_1083 = tpu.memref_slice %arg6[%add3A_1081, %dma_start3A_1082] : memref<204800x128xf32, #tpu.memory_space<hbm>> -> memref<128x128xf32, #tpu.memory_space<hbm>>
      %dma_start3A_1084 = arith.constant 0 : i32
      %dma_start3A_1085 = tpu.memref_slice %arg6[%add3A_1081, %dma_start3A_1084] : memref<204800x128xf32, #tpu.memory_space<hbm>> -> memref<128x128xf32, #tpu.memory_space<hbm>>
      tpu.enqueue_dma source(%arg18 : memref<128x128xf32, #tpu.memory_space<vmem>>) target(%dma_start3A_1085 : memref<128x128xf32, #tpu.memory_space<hbm>>) target_semaphore(%arg21 : memref<!tpu.dma_semaphore, #tpu.memory_space<semaphore_mem>>)
    }
    %scan3A_28 = arith.constant 2 : i32
    %add3A_29 = arith.constant 256 : i32
    %add3A_30 = arith.addi %add3A_16, %add3A_29 : i32
    %dma_wait3A = arith.constant 0 : i32
    %dma_wait3A_31 = tpu.memref_slice %arg6[%add3A_30, %dma_wait3A] : memref<204800x128xf32, #tpu.memory_space<hbm>> -> memref<128x128xf32, #tpu.memory_space<hbm>>
    %dma_wait3A_32 = arith.constant 0 : i32
    %dma_wait3A_33 = tpu.memref_slice %arg6[%add3A_30, %dma_wait3A_32] : memref<204800x128xf32, #tpu.memory_space<hbm>> -> memref<128x128xf32, #tpu.memory_space<hbm>>
    tpu.wait_dma2 semaphore(%arg21 : memref<!tpu.dma_semaphore, #tpu.memory_space<semaphore_mem>>) src(%arg18 : memref<128x128xf32, #tpu.memory_space<vmem>>) dst(%dma_wait3A_33 : memref<128x128xf32, #tpu.memory_space<hbm>>)
    %add3A_34 = arith.constant 384 : i32
    %add3A_35 = arith.addi %add3A_16, %add3A_34 : i32
    %dma_wait3A_36 = arith.constant 0 : i32
    %dma_wait3A_37 = tpu.memref_slice %arg6[%add3A_35, %dma_wait3A_36] : memref<204800x128xf32, #tpu.memory_space<hbm>> -> memref<128x128xf32, #tpu.memory_space<hbm>>
    %dma_wait3A_38 = arith.constant 0 : i32
    %dma_wait3A_39 = tpu.memref_slice %arg6[%add3A_35, %dma_wait3A_38] : memref<204800x128xf32, #tpu.memory_space<hbm>> -> memref<128x128xf32, #tpu.memory_space<hbm>>
    tpu.wait_dma2 semaphore(%arg22 : memref<!tpu.dma_semaphore, #tpu.memory_space<semaphore_mem>>) src(%arg19 : memref<128x128xf32, #tpu.memory_space<vmem>>) dst(%dma_wait3A_39 : memref<128x128xf32, #tpu.memory_space<hbm>>)
    return
  }
}

module attributes {stable_mosaic.version = 14 : i64} {
  func.func @_tc_body(%arg0: i32, %arg1: memref<8x128xi32, #tpu.memory_space<vmem>>, %arg2: memref<81x128xf32, #tpu.memory_space<vmem>>, %arg3: memref<204800x128xf32, #tpu.memory_space<hbm>>, %arg4: memref<409600xi32, #tpu.memory_space<hbm>>, %arg5: memref<1024x128xf32, #tpu.memory_space<vmem>>) attributes {dimension_semantics = [#tpu.dimension_semantics<arbitrary>], iteration_bounds = array<i64: 184>, scalar_prefetch = 0 : i64, scratch_operands = 0 : i64, tpu.core_type = #tpu.core_type<tc>, window_params = [{transform_indices = @transform_0, window_bounds = array<i64: 8, 128>}, {pipeline_mode = #tpu.pipeline_mode<synchronous>, transform_indices = @transform_1, window_bounds = array<i64: 81, 128>}, {}, {}, {transform_indices = @transform_4, window_bounds = array<i64: 1024, 128>}]} {
    %iota3A = tpu.iota {dimensions = array<i32: 0>} : vector<81x128xi32>
    %get3A = arith.constant 0 : index
    %get3A_0 = arith.constant 0 : index
    %get3A_1 = vector.load %arg1[%get3A, %get3A_0] : memref<8x128xi32, #tpu.memory_space<vmem>>, vector<1x128xi32>
    %eq3A = vector.broadcast %get3A_1 : vector<1x128xi32> to vector<81x128xi32>
    %eq3A_2 = arith.cmpi eq, %eq3A, %iota3A : vector<81x128xi32>
    %convert_element_type3A = arith.extui %eq3A_2 : vector<81x128xi1> to vector<81x128xi32>
    %convert_element_type3A_3 = arith.sitofp %convert_element_type3A : vector<81x128xi32> to vector<81x128xf32>
    %get3A_4 = arith.constant 1 : index
    %get3A_5 = arith.constant 0 : index
    %get3A_6 = vector.load %arg1[%get3A_4, %get3A_5] : memref<8x128xi32, #tpu.memory_space<vmem>>, vector<1x128xi32>
    %eq3A_7 = vector.broadcast %get3A_6 : vector<1x128xi32> to vector<81x128xi32>
    %eq3A_8 = arith.cmpi eq, %eq3A_7, %iota3A : vector<81x128xi32>
    %convert_element_type3A_9 = arith.extui %eq3A_8 : vector<81x128xi1> to vector<81x128xi32>
    %convert_element_type3A_10 = arith.sitofp %convert_element_type3A_9 : vector<81x128xi32> to vector<81x128xf32>
    %get3A_11 = arith.constant 2 : index
    %get3A_12 = arith.constant 0 : index
    %get3A_13 = vector.load %arg1[%get3A_11, %get3A_12] : memref<8x128xi32, #tpu.memory_space<vmem>>, vector<1x128xi32>
    %eq3A_14 = vector.broadcast %get3A_13 : vector<1x128xi32> to vector<81x128xi32>
    %eq3A_15 = arith.cmpi eq, %eq3A_14, %iota3A : vector<81x128xi32>
    %convert_element_type3A_16 = arith.extui %eq3A_15 : vector<81x128xi1> to vector<81x128xi32>
    %convert_element_type3A_17 = arith.sitofp %convert_element_type3A_16 : vector<81x128xi32> to vector<81x128xf32>
    %get3A_18 = arith.constant 3 : index
    %get3A_19 = arith.constant 0 : index
    %get3A_20 = vector.load %arg1[%get3A_18, %get3A_19] : memref<8x128xi32, #tpu.memory_space<vmem>>, vector<1x128xi32>
    %eq3A_21 = vector.broadcast %get3A_20 : vector<1x128xi32> to vector<81x128xi32>
    %eq3A_22 = arith.cmpi eq, %eq3A_21, %iota3A : vector<81x128xi32>
    %convert_element_type3A_23 = arith.extui %eq3A_22 : vector<81x128xi1> to vector<81x128xi32>
    %convert_element_type3A_24 = arith.sitofp %convert_element_type3A_23 : vector<81x128xi32> to vector<81x128xf32>
    %get3A_25 = arith.constant 4 : index
    %get3A_26 = arith.constant 0 : index
    %get3A_27 = vector.load %arg1[%get3A_25, %get3A_26] : memref<8x128xi32, #tpu.memory_space<vmem>>, vector<1x128xi32>
    %eq3A_28 = vector.broadcast %get3A_27 : vector<1x128xi32> to vector<81x128xi32>
    %eq3A_29 = arith.cmpi eq, %eq3A_28, %iota3A : vector<81x128xi32>
    %convert_element_type3A_30 = arith.extui %eq3A_29 : vector<81x128xi1> to vector<81x128xi32>
    %convert_element_type3A_31 = arith.sitofp %convert_element_type3A_30 : vector<81x128xi32> to vector<81x128xf32>
    %get3A_32 = arith.constant 5 : index
    %get3A_33 = arith.constant 0 : index
    %get3A_34 = vector.load %arg1[%get3A_32, %get3A_33] : memref<8x128xi32, #tpu.memory_space<vmem>>, vector<1x128xi32>
    %eq3A_35 = vector.broadcast %get3A_34 : vector<1x128xi32> to vector<81x128xi32>
    %eq3A_36 = arith.cmpi eq, %eq3A_35, %iota3A : vector<81x128xi32>
    %convert_element_type3A_37 = arith.extui %eq3A_36 : vector<81x128xi1> to vector<81x128xi32>
    %convert_element_type3A_38 = arith.sitofp %convert_element_type3A_37 : vector<81x128xi32> to vector<81x128xf32>
    %get3A_39 = arith.constant 6 : index
    %get3A_40 = arith.constant 0 : index
    %get3A_41 = vector.load %arg1[%get3A_39, %get3A_40] : memref<8x128xi32, #tpu.memory_space<vmem>>, vector<1x128xi32>
    %eq3A_42 = vector.broadcast %get3A_41 : vector<1x128xi32> to vector<81x128xi32>
    %eq3A_43 = arith.cmpi eq, %eq3A_42, %iota3A : vector<81x128xi32>
    %convert_element_type3A_44 = arith.extui %eq3A_43 : vector<81x128xi1> to vector<81x128xi32>
    %convert_element_type3A_45 = arith.sitofp %convert_element_type3A_44 : vector<81x128xi32> to vector<81x128xf32>
    %get3A_46 = arith.constant 7 : index
    %get3A_47 = arith.constant 0 : index
    %get3A_48 = vector.load %arg1[%get3A_46, %get3A_47] : memref<8x128xi32, #tpu.memory_space<vmem>>, vector<1x128xi32>
    %eq3A_49 = vector.broadcast %get3A_48 : vector<1x128xi32> to vector<81x128xi32>
    %eq3A_50 = arith.cmpi eq, %eq3A_49, %iota3A : vector<81x128xi32>
    %convert_element_type3A_51 = arith.extui %eq3A_50 : vector<81x128xi1> to vector<81x128xi32>
    %convert_element_type3A_52 = arith.sitofp %convert_element_type3A_51 : vector<81x128xi32> to vector<81x128xf32>
    %concatenate3A = tpu.concatenate %convert_element_type3A_3, %convert_element_type3A_10, %convert_element_type3A_17, %convert_element_type3A_24, %convert_element_type3A_31, %convert_element_type3A_38, %convert_element_type3A_45, %convert_element_type3A_52 in 1 : vector<81x128xf32>, vector<81x128xf32>, vector<81x128xf32>, vector<81x128xf32>, vector<81x128xf32>, vector<81x128xf32>, vector<81x128xf32>, vector<81x128xf32> -> vector<81x1024xf32>
    %get3A_53 = arith.constant 0 : index
    %get3A_54 = arith.constant 0 : index
    %get3A_55 = vector.load %arg2[%get3A_53, %get3A_54] : memref<81x128xf32, #tpu.memory_space<vmem>>, vector<81x128xf32>
    %dot_general3A = arith.constant dense<0.000000e+00> : vector<1024x128xf32>
    %dot_general3A_56 = tpu.matmul %concatenate3A, %get3A_55, %dot_general3A {dimension_numbers = #tpu.dot_dimension_numbers<[0], [0], [1], [1], [0, 1, 1, 1], [], []>, transpose_lhs_hint = false} : vector<81x1024xf32>, vector<81x128xf32>, vector<1024x128xf32> -> vector<1024x128xf32>
    %swap3A = arith.constant 0 : index
    %swap3A_57 = arith.constant 0 : index
    %swap3A_58 = vector.load %arg5[%swap3A, %swap3A_57] : memref<1024x128xf32, #tpu.memory_space<vmem>>, vector<1024x128xf32>
    tpu.vector_store %arg5[%swap3A, %swap3A_57], %dot_general3A_56 {strides = array<i32>} : memref<1024x128xf32, #tpu.memory_space<vmem>>, vector<1024x128xf32>,
    return
  }
  func.func @transform_0(%arg0: i32) -> (i32, i32) {
    %c0_i32 = arith.constant 0 : i32
    %c0_i32_0 = arith.constant 0 : i32
    return %arg0, %c0_i32 : i32, i32
  }
  func.func @transform_1(%arg0: i32) -> (i32, i32) {
    %c0_i32 = arith.constant 0 : i32
    %c0_i32_0 = arith.constant 0 : i32
    %c0_i32_1 = arith.constant 0 : i32
    return %c0_i32, %c0_i32_0 : i32, i32
  }
  func.func @transform_4(%arg0: i32) -> (i32, i32) {
    %c0_i32 = arith.constant 0 : i32
    %c0_i32_0 = arith.constant 0 : i32
    return %arg0, %c0_i32 : i32, i32
  }
}

</mosaic_0001>

<sc_bundles>
// kernel: kernel.4.cloned.1.call-start
scs
__scs_entry_jumppad:
0x0: {  	(pc) =	sbr.rel $0x88, $3  }
0x1: {  	(tag) =	ssettag $0x0;
	lr =	simm.s32 $0x1  }
0x2: {  	[smem:$0x3F9F] =	sst lr;
	_ =	strace $0xD0000000  }
0x3: {  	_ = 	snop  }
0x4: {  	_ = 	snop  }
0x5: {  	_ = 	snop  }
0x6: {  	_ = 	snop  }
0x7: {  	_ = 	snop  }
__scs_overlays_trampoline_lowered:
0x8: {  	[smem:$0x3FAE] =	sst s0  }
0x9: {  	[smem:$0x3FAF] =	sst s1  }
0xa: {  	[smem:$0x3FB0] =	sst s2  }
0xb: {  	[smem:$0x3FB1] =	sst s3  }
0xc: {  	[smem:$0x3FB2] =	sst s4  }
0xd: {  	[smem:$0x3FB3] =	sst s5  }
0xe: {  	[smem:$0x3FB4] =	sst s6  }
0xf: {  	[smem:$0x3FB5] =	sst s7  }
0x10: {  	[smem:$0x3FB6] =	sst s8  }
0x11: {  	[smem:$0x3FB7] =	sst s9;
	s0 =	simm.s32 @!p0 $0x0  }
0x12: {  	s1 =	sld [smem:$0x3F9D];
	s0 =	simm.s32 @p0 $0x1  }
0x13: {  	[smem:$0x3FB8] =	sst s0;
	s0 =	simm.s32 @!p1 $0x0  }
0x14: {  	s2 =	sld [smem:$0x3F9C];
	s0 =	simm.s32 @p1 $0x1  }
0x15: {  	[smem:$0x3FB9] =	sst s0;
	s0 =	simm.s32 @!p2 $0x0  }
0x16: {  	s3 =	sld [smem:$0x3FDB];
	s0 =	simm.s32 @p2 $0x1  }
0x17: {  	s4 =	simm.s32 $0x1BF5;
	[smem:$0x3FBB] =	sst s0  }
0x18: {  	s0 =	sld [smem:$0x3F9E];
	_ =	swait.ge [sflag:s4], $0x0  }
0x19: {  	s7 =	sld [smem:$0x3F9F]  }
0x1a: {  	s8 =	sadd.s32 $0xFFFFE003, lr  }
0x1b: {  	s9 =	sadd.s32 $0xFFFFFEF7, lr;
	s5 =	simm.s32 $0xFFFFFFFF;
	p2 =	slt.u32 s8, $0xFFFFF086  }
0x1c: {  	p1 =	slt.u32 s9, $0xF7A;
	s5 =	simm.s32 @!p2 $0x0  }
0x1d: {  	s5 =	simm.s32 @p1 $0x1;
	p0 =	seq.s32 s7, s2  }
0x1e: {  	s7 =	smul.u32 @!p0 $0xF7A, s2;
	p2 =	seq.s32 @!p0 s5, $0x0  }
0x1f: {  	s9 =	smul.u32 $0xF7A, s1;
	s8 =	simm.s32 @!p0 $0x1BF5;
	p2 =	por !p2, p0  }
0x20: {  	[sflag:s8] =	ssyncset.s32 @!p0 $0xFFFFF086;
	s6 =	sadd.s32 @!p0 s3, s7;
	s7 =	simm.s32 @!p0 $0x108  }
0x21: {  	s3 =	sadd.s32 s3, s9;
	s6 =	sadd.s32 @!p0 $0x88, s6;
	s7 =	simm.s32 @p2 $0x1082  }
0x22: {  	[simem:s7], [sflag:s8] =	dma.local @!p0 [hbm:s6], $0xF7A  }
0x23: {  	s9 =	sor.u32 $0xD0000000, s2;
	s6 =	simm.s32 $0x108;
	_ =	swait.ge @!p0 [sflag:s8], $0x0  }
0x24: {  	s3 =	sadd.s32 $0x88, s3;
	s6 =	simm.s32 @!p1 $0x1082;
	[sflag:s4] =	ssyncset.s32 $0xFFFFF086  }
0x25: {  	[simem:s6], [sflag:s4] =	dma.local [hbm:s3], $0xF7A  }
0x26: {  	[smem:$0x3F9F] =	sst s1;
	(tag) =	ssettag s2;
	_ =	strace s9  }
0x27: {  	s1 =	sld [smem:$0x3FAF]  }
0x28: {  	s2 =	sld [smem:$0x3FB0]  }
0x29: {  	s4 =	sld [smem:$0x3FB2]  }
0x2a: {  	p0 =	seq.s32 s5, $0x0;
	s5 =	sld [smem:$0x3FB3]  }
0x2b: {  	s6 =	sld [smem:$0x3FB4]  }
0x2c: {  	s7 =	sld [smem:$0x3FB5]  }
0x2d: {  	s3 =	simm.s32 $0x108;
	s8 =	sld [smem:$0x3FB6]  }
0x2e: {  	s3 =	simm.s32 @!p0 $0x1082;
	s9 =	sld [smem:$0x3FB7]  }
0x2f: {  	lr =	sadd.s32 s0, s3;
	s0 =	sld [smem:$0x3FAE]  }
0x30: {  	s3 =	sld [smem:$0x3FB1]  }
0x31: {  	[smem:$0x3FBA] =	sst s10  }
0x32: {  	s10 =	sld [smem:$0x3FB8];
	_ =	sdelay $0x3  }
0x33: {  	p0 =	seq.s32 s10, $0x1;
	s10 =	sld [smem:$0x3FBA];
	_ =	sdelay $0x3  }
0x34: {  	[smem:$0x3FBA] =	sst s10  }
0x35: {  	s10 =	sld [smem:$0x3FB9];
	_ =	sdelay $0x3  }
0x36: {  	p1 =	seq.s32 s10, $0x1;
	s10 =	sld [smem:$0x3FBA];
	_ =	sdelay $0x3  }
0x37: {  	[smem:$0x3FBA] =	sst s10  }
0x38: {  	s10 =	sld [smem:$0x3FBB]  }
0x39: {  	_ = 	snop;
	(pc) =	sbr.ind lr, $3  }
0x3a: {  	_ = 	snop  }
0x3b: {  	_ = 	snop  }
0x3c: {  	p2 =	seq.s32 s10, $0x1;
	s10 =	sld [smem:$0x3FBA]  }
0x3d: {  	_ =	shalt  }
0x3e: {  	_ =	shalt  }
0x3f: {  	_ =	shalt  }
0x40: {  	_ =	shalt  }
0x41: {  	_ =	shalt  }
0x42: {  	_ =	shalt  }
0x43: {  	_ =	shalt  }
0x44: {  	_ =	shalt  }
0x45: {  	_ =	shalt  }
0x46: {  	_ =	shalt  }
0x47: {  	_ =	shalt  }
0x48: {  	_ =	shalt  }
0x49: {  	_ =	shalt  }
0x4a: {  	_ =	shalt  }
0x4b: {  	_ =	shalt  }
0x4c: {  	_ =	shalt  }
0x4d: {  	_ =	shalt  }
0x4e: {  	_ =	shalt  }
0x4f: {  	_ =	shalt  }
0x50: {  	_ =	shalt  }
0x51: {  	_ =	shalt  }
0x52: {  	_ =	shalt  }
0x53: {  	_ =	shalt  }
0x54: {  	_ =	shalt  }
0x55: {  	_ =	shalt  }
0x56: {  	_ =	shalt  }
0x57: {  	_ =	shalt  }
0x58: {  	_ =	shalt  }
0x59: {  	_ =	shalt  }
0x5a: {  	_ =	shalt  }
0x5b: {  	_ =	shalt  }
0x5c: {  	_ =	shalt  }
0x5d: {  	_ =	shalt  }
0x5e: {  	_ =	shalt  }
0x5f: {  	_ =	shalt  }
0x60: {  	_ =	shalt  }
0x61: {  	_ =	shalt  }
0x62: {  	_ =	shalt  }
0x63: {  	_ =	shalt  }
0x64: {  	_ =	shalt  }
0x65: {  	_ =	shalt  }
0x66: {  	_ =	shalt  }
0x67: {  	_ =	shalt  }
0x68: {  	_ =	shalt  }
0x69: {  	_ =	shalt  }
0x6a: {  	_ =	shalt  }
0x6b: {  	_ =	shalt  }
0x6c: {  	_ =	shalt  }
0x6d: {  	_ =	shalt  }
0x6e: {  	_ =	shalt  }
0x6f: {  	_ =	shalt  }
0x70: {  	_ =	shalt  }
0x71: {  	_ =	shalt  }
0x72: {  	_ =	shalt  }
0x73: {  	_ =	shalt  }
0x74: {  	_ =	shalt  }
0x75: {  	_ =	shalt  }
0x76: {  	_ =	shalt  }
0x77: {  	_ =	shalt  }
0x78: {  	_ =	shalt  }
0x79: {  	_ =	shalt  }
0x7a: {  	_ =	shalt  }
0x7b: {  	_ =	shalt  }
0x7c: {  	_ =	shalt  }
0x7d: {  	_ =	shalt  }
0x7e: {  	_ =	shalt  }
0x7f: {  	_ =	shalt  }
0x80: {  	_ =	shalt  }
0x81: {  	_ =	shalt  }
0x82: {  	_ =	shalt  }
0x83: {  	_ =	shalt  }
0x84: {  	_ =	shalt  }
0x85: {  	_ =	shalt  }
0x86: {  	_ =	shalt  }
0x87: {  	_ =	shalt  }
.Lfunc_end0:
.L_simem_size_0:
called_computation.1_lowered:
.L_overlay_start_0:
0x88: {  	s2 =	sld [smem:$0x3FD9]  }
0x89: {  	s3 =	sld [smem:$0x3FFE];
	_ =	sdelay $0x1  }
0x8a: {  	s1 =	srdreg.scid  }
0x8b: {  	s0 =	sand.u32 $0x1, s1  }
0x8c: {  	s17 =	sshll.u32 s0, $0xA;
	s2 =	sadd.s32 s3, s2  }
0x8d: {  	s2 =	sadd.s32 s2, s17  }
0x8e: {  	[smem:$0x3FC6] =	sst s2  }
0x8f: {  	_ = 	snop  }
0x90: {  	s2 =	sld [smem:$0x3FD0];
	(tm) =	ssettm $0x1  }
0x91: {  	s18 =	sld [smem:$0x3FFB];
	_ =	sdelay $0x3  }
0x92: {  	_ =	strace s18  }
0x93: {  	s3 =	sld [smem:$0x3FFC];
	_ =	sdelay $0x3  }
0x94: {  	_ =	strace s3  }
0x95: {  	s3 =	sld [smem:$0x3FFD];
	_ =	sdelay $0x3  }
0x96: {  	_ =	strace s3  }
0x97: {  	_ =	strace $0x8FFFFFFF  }
0x98: {  	s19 =	sld [smem:$0x3FDB];
	_ =	sdelay $0x1  }
0x99: {  	s4 =	simm.s32 $_scs_section_size  }
0x9a: {  	s5 =	simm.s32 $_size__tile_overlayer_lowered;
	s6 =	simm.s32 $_tile_overlayer_lowered  }
0x9b: {  	s22 =	simm.s32 $0x1BFF;
	s21 =	sshll.u32 s6, $0x1;
	s3 =	sadd.s32 s4, s19  }
0x9c: {  	s7 =	simm.s32 $0x0;
	s20 =	sshll.u32 s5, $0x1;
	s5 =	sadd.s32 s21, s3  }
0x9d: {  	[timem:s7], [sflag:s22] =	dma.local [hbm:s5], s20  }
0x9e: {  	_ =	swait.ge [sflag:s22], s20  }
0x9f: {  	s4 =	ssub.s32 $0x0, s20;
	[sflag:s22] =	ssyncset.done $0x0  }
0xa0: {  	[sflag:s22] =	ssyncadd.s32 s4;
	_ =	sdelay $0x1  }
0xa1: {  	s23 =	simm.s32 $0x1B8B  }
0xa2: {  	_ =	swait.ge [sflag:s23], $0x1  }
0xa3: {  	[sflag:s23] =	ssyncset.done $0x0  }
0xa4: {  	s25 =	simm.s32 $0x1B8E;
	s24 =	sld [smem:$0x3FFE];
	[sflag:s23] =	ssyncadd.s32 $0xFFFFFFFF  }
0xa5: {  	s26 =	simm.s32 $execute0_lowered;
	[smem:$0x3FD2] =	sst s25  }
0xa6: {  	s5 =	sshll.u32 s26, $0x1;
	_ =	strace $0x80000046;
	[dreg:$0x1] =	wrdreg $0xFFFFFFFF  }
0xa7: {  	s28 =	simm.s32 $_size_execute0_lowered;
	s3 =	sadd.s32 s3, s5;
	[dreg:$0x0] =	wrdreg $0x0  }
0xa8: {  	s5 =	sshll.u32 s28, $0x1;
	[dreg:$0x2] =	wrdreg s3  }
0xa9: {  	[dreg:$0x3] =	wrdreg s5  }
0xaa: {  	[dreg:$0x4] =	wrdreg $0xC0  }
0xab: {  	_ =	task [dreg:s7], $0x5FFFF  }
0xac: {  	[dreg:$0x1] =	wrdreg $0xFFFFFFFF  }
0xad: {  	[dreg:$0x0] =	wrdreg $0x60  }
0xae: {  	[dreg:$0x2] =	wrdreg s24  }
0xaf: {  	[dreg:$0x3] =	wrdreg s2  }
0xb0: {  	[dreg:$0x4] =	wrdreg $0xB1000  }
0xb1: {  	[dreg:$0x5] =	wrdreg $0x9  }
0xb2: {  	_ =	task.clear_ibuf [dreg:s7], $0x6FFFF;
	_ =	strace $0x90000046  }
0xb3: {  	s29 =	simm.s32 $0x9;
	_ =	strace $0x80000048  }
0xb4: {  	_ =	swait.ge [sflag:s29], $0x1  }
0xb5: {  	[sflag:s29] =	ssyncadd.s32 $0xFFFFFFFF  }
0xb6: {  	_ =	strace $0x90000048  }
0xb7: {  	_ =	sfence  }
0xb8: {  	s30 =	sld [smem:$0x0];
	_ =	sdelay $0x2  }
0xb9: {  	s31 =	sshll.u32 s1, $0xD;
	s1 =	sshrl.u32 s1, $0x2  }
0xba: {  	s3 =	sand.u32 $0x4000, s31;
	s1 =	sadd.s32 s1, s30  }
0xbb: {  	s0 =	sor.u32 s3, s0;
	s1 =	sshll.u32 s1, $0x11  }
0xbc: {  	s0 =	sor.u32 s1, s0  }
0xbd: {  	s0 =	sadd.s32 $0x8F2B, s0  }
0xbe: {  	[sflag:s0] =	ssyncadd.remote.s32 $0x1  }
0xbf: {  	_ =	sfence.sel $0xFFFF  }
0xc0: {  	[dreg:$0x0] =	wrdreg $0xFFFFFFFF;
	(pc) =	sbr.abs _section_cstart, $3  }
0xc1: {  	[dreg:$0x1] =	wrdreg $0xFFFFFFFF  }
0xc2: {  	_ =	task.clear_ibuf [dreg:s7], $0x2FFFF;
	_ =	strace $0x9FFFFFFF  }
0xc3: {  	(tm) =	ssettm $0x7FFFFFFF  }
tec
execute0_lowered:
.L_overlay_start_1:
0x0: {  	(tag) =	ssettag $0x1  }
0x1: {  	s0 =	rddreg [dreg:$0x0]  }
0x2: {  	s1 =	rddreg [dreg:$0x1]  }
0x3: {  	s3 =	rddreg [dreg:$0x2];
	s4 =	simm.s32 $0x0  }
0x4: {  	s5 =	srdreg.scid;
	s2 =	stileid.u32;
	s16 =	simm.s32 $0x7D00  }
0x5: {  	s19 =	simm.s32 $0x8500;
	s21 =	simm.s32 $0x11A00;
	s22 =	simm.s32 $0xDA00  }
0x6: {  	s23 =	simm.s32 $0x2;
	s24 =	simm.s32 $0x3;
	s25 =	simm.s32 $0x0  }
0x7: {  	[smem:$0x7FF] =	sst s4;
	s5 =	sand.u32 $0x1, s5;
	s6 =	sshll.u32 s2, $0x1  }
0x8: {  	s10 =	sadd.s32 $0x1800, s0;
	s11 =	sadd.s32 $0xE000, s0;
	s15 =	smul.u32 $0xA200, s2  }
0x9: {  	s29 =	smul.u32 $0x51, s2;
	_ =	strace $0x80000047;
	s6 =	sor.u32 s5, s6  }
0xa: {  	s8 =	ssub.s32 $0x2, s5;
	s5 =	sadd.s32 $0x1200, s0;
	s7 =	smul.u32 $0x320, s6  }
0xb: {  	s9 =	sshrl.u32 s8, $0x1;
	s12 =	smul.u32 $0x640, s6;
	s26 =	sshll.u32 s6, $0x9  }
0xc: {  	s30 =	sshrl.u32 s15, $0x2;
	s15 =	simm.s32 $0x6400;
	s13 =	ssub.s32 s8, s9  }
0xd: {  	v0 =	vlaneseq.u32;
	s8 =	sadd.s32 $0x2E000, s26;
	s20 =	sadd.s32 s30, s3;
	s0 =	sadd.s32 s7, s0  }
0xe: {  	v1 =	vmul.u32 $0x2, v0;
	s6 =	sadd.s32 s10, s12;
	s7 =	sadd.s32 s11, s7;
	s28 =	sshrl.u32 s8, $0x2  }
0xf: {  	v4 =	vimm.s32 $0x4;
	v5 =	vimm.s32 $0x0;
	s14 =	sshrl.u32 s8, $0x3;
	s31 =	sshll.u32 s8, $0x4;
	s13 =	smax.u32 s13, $0x1  }
0x10: {  	v9 =	vmul.u32 $0x80, v0;
	v2 =	vmov s29;
	v3 =	vor.u32 $0x1, v1;
	s20 =	sshrl.u32 s20, $0x3;
	s9 =	sadd.s32 $0x14400, s0;
	s10 =	sadd.s32 s10, s28  }
0x11: {  	v6 =	vor.u32 $0x21, v1;
	v7 =	vor.u32 $0x41, v1;
	v8 =	vor.u32 $0x61, v1;
	s11 =	sadd.s32 s11, s14;
	s12 =	sadd.s32 s1, s31;
	s14 =	simm.s32 $0x4  }
.LBB2_1:
0x12: {  	[tilespmem:s4], [sflag:$0x4] =	stream.linear.gather [hbm4b:s6+s4], $0x3200, $0x38;
	[tilespmem:$0x15A00] =	vst v63  }
0x13: {  	_ =	swait.ge [sflag:s14], $0x3200  }
0x14: {  	[sflag:s14] =	ssyncset.done $0x0  }
0x15: {  	s26 =	simm.s32 $0x3200;
	[sflag:s14] =	ssyncadd.s32 $0xFFFFCE00  }
0x16: {  	[tilespmem:s26], [sflag:$0x4] =	stream.linear.gather [hbm4b:s7+s4], $0x1900, $0x38;
	[tilespmem:$0x15A00] =	vst v63  }
0x17: {  	_ =	swait.ge [sflag:s14], $0x1900  }
0x18: {  	[sflag:s14] =	ssyncset.done $0x0  }
0x19: {  	s28 =	simm.s32 $0x4B00;
	v10 =	vor.u32 s4, v3;
	[sflag:s14] =	ssyncadd.s32 $0xFFFFE700  }
0x1a: {  	[tilespmem:s28], [sflag:$0x4] =	stream.linear.gather [hbm4b:s7+s4], $0x1900, $0x38;
	[tilespmem:$0x15A00] =	vst v63  }
0x1b: {  	v11 =	vor.u32 s4, v1;
	_ =	swait.ge [sflag:s14], $0x1900  }
0x1c: {  	[sflag:s14] =	ssyncset.done $0x0  }
0x1d: {  	[sflag:s14] =	ssyncadd.s32 $0xFFFFE700  }
0x1e: {  	v10 =	vld.idx.msk [tilespmem:v10+s4+$0x0], $0xffff  }
0x1f: {  	v12 =	vld [tilespmem:s28+$0x0]  }
0x20: {  	v11 =	vld.idx.msk [tilespmem:v11+s4+$0x0], $0xffff  }
0x21: {  	v13 =	vld [tilespmem:s26+$0x0];
	_ =	sdelay $0x3  }
0x22: {  	v10 =	vsub.s32 v12, v10  }
0x23: {  	v11 =	vsub.s32 v13, v11;
	vm0 =	vgt.s32 v10, $0x1;
	vm1 =	vgt.s32 v10, $0x3F  }
0x24: {  	vm2 =	vlt.s32 v10, $0x5;
	vm3 =	vgt.s32 v10, $0x7;
	vm4 =	vgt.s32 v10, $0xF  }
0x25: {  	vm5 =	vgt.s32 v10, $0x1F;
	vm10 =	vgt.s32 v11, $0x1;
	vm11 =	vgt.s32 v11, $0x7  }
0x26: {  	vm12 =	vgt.s32 v11, $0xF;
	vm13 =	vgt.s32 v11, $0x1F;
	vm14 =	vgt.s32 v11, $0x3F  }
0x27: {  	vm15 =	vlt.s32 v11, $0x5;
	v10 =	vnsel vm0, $0x1, v10;
	v58 =	vsel vm3, $0x5, v4  }
0x28: {  	v14 =	vsel vm4, $0x1, v5;
	v60 =	vsel vm11, $0x5, v4;
	v15 =	vsel vm12, $0x1, v5  }
0x29: {  	v61 =	vsel vm13, $0x1, v5;
	v12 =	vadd.s32 v14, v58;
	v14 =	vadd.s32 v15, v60  }
0x2a: {  	v16 =	vnsel vm10, $0x1, v11;
	v62 =	vsel vm14, $0x1, v5;
	v14 =	vadd.s32 v61, v14  }
0x2b: {  	v59 =	vsel vm5, $0x1, v5;
	v11 =	vadd.s32 $0xFFFFFFFF, v16;
	v14 =	vadd.s32 v62, v14  }
0x2c: {  	v63 =	vsel vm1, $0x1, v5;
	v12 =	vadd.s32 v59, v12;
	v11 =	vsel vm15, v11, v14  }
0x2d: {  	v10 =	vadd.s32 $0xFFFFFFFF, v10;
	v12 =	vadd.s32 v63, v12;
	v11 =	vmul.u32 $0x9, v11  }
0x2e: {  	s0 =	simm.s32 $0x20;
	v10 =	vsel vm2, v10, v12  }
0x2f: {  	v12 =	vadd.s32 v10, v11;
	v10 =	vor.u32 s0, v3;
	_ =	sdelay $0x3  }
0x30: {  	s30 =	simm.s32 $0x40;
	s29 =	simm.s32 $0x6400;
	v11 =	vor.u32 s0, v1;
	[tilespmem:s15+$0x0] =	vst v12  }
.LBB2_2:
0x31: {  	p0 =	sne.s32 s30, $0x31E0;
	v12 =	vld.idx.msk [tilespmem:v10+s4+$0x0], $0xffff;
	s28 =	sadd.s32 $0x10, s28  }
0x32: {  	v13 =	vld [tilespmem:s28+$0x0];
	_ =	sdelay $0x2  }
0x33: {  	s26 =	sadd.s32 $0x10, s26;
	v11 =	vld.idx.msk [tilespmem:v11+s4+$0x0], $0xffff  }
0x34: {  	v14 =	vld [tilespmem:s26+$0x0]  }
0x35: {  	v10 =	vor.u32 s30, v3;
	v12 =	vsub.s32 v13, v12  }
0x36: {  	vm2 =	vgt.s32 v12, $0x1;
	vm1 =	vgt.s32 v12, $0x3F;
	vm0 =	vlt.s32 v12, $0x5  }
0x37: {  	vm3 =	vgt.s32 v12, $0x7;
	vm4 =	vgt.s32 v12, $0xF;
	vm5 =	vgt.s32 v12, $0x1F  }
0x38: {  	v12 =	vnsel vm2, $0x1, v12;
	v13 =	vsel vm3, $0x5, v4;
	v15 =	vsel vm4, $0x1, v5  }
0x39: {  	v13 =	vadd.s32 v15, v13;
	v11 =	vsub.s32 v14, v11;
	v14 =	vsel vm5, $0x1, v5  }
0x3a: {  	vm2 =	vgt.s32 v11, $0x1;
	vm3 =	vgt.s32 v11, $0x7;
	vm4 =	vgt.s32 v11, $0xF  }
0x3b: {  	v15 =	vsel vm3, $0x5, v4;
	v16 =	vsel vm4, $0x1, v5;
	vm3 =	vgt.s32 v11, $0x1F  }
0x3c: {  	v15 =	vadd.s32 v16, v15;
	v16 =	vsel vm3, $0x1, v5;
	vm3 =	vgt.s32 v11, $0x3F  }
0x3d: {  	v17 =	vnsel vm2, $0x1, v11;
	v15 =	vadd.s32 v16, v15;
	v16 =	vsel vm3, $0x1, v5  }
0x3e: {  	vm2 =	vlt.s32 v11, $0x5;
	v11 =	vadd.s32 $0xFFFFFFFF, v17;
	v15 =	vadd.s32 v16, v15  }
.Ltmp0:
0x3f: {  	v13 =	vadd.s32 v14, v13;
	v14 =	vsel vm1, $0x1, v5;
	v11 =	vsel vm2, v11, v15;
	(pc) =	sbr.rel @p0 .LBB2_2-.Ltmp0, $4  }
0x40: {  	v12 =	vadd.s32 $0xFFFFFFFF, v12;
	v13 =	vadd.s32 v14, v13;
	v11 =	vmul.u32 $0x9, v11  }
0x41: {  	v12 =	vsel vm0, v12, v13  }
0x42: {  	s29 =	sadd.s32 $0x10, s29;
	v12 =	vadd.s32 v12, v11  }
0x43: {  	v11 =	vor.u32 s30, v1;
	s30 =	sadd.s32 $0x20, s30;
	[tilespmem:s29+$0x0] =	vst v12  }
0x44: {  	_ =	sdelay $0x3  }
0x45: {  	v10 =	vld.idx.msk [tilespmem:v10+s4+$0x0], $0xffff  }
0x46: {  	s0 =	sadd.s32 $0x10, s28;
	v11 =	vld.idx.msk [tilespmem:v11+s4+$0x0], $0xffff  }
0x47: {  	s18 =	sadd.s32 $0x10, s26;
	v12 =	vld [tilespmem:s0+$0x0]  }
0x48: {  	v13 =	vld [tilespmem:s18+$0x0];
	_ =	sdelay $0x3  }
0x49: {  	v10 =	vsub.s32 v12, v10  }
0x4a: {  	v11 =	vsub.s32 v13, v11;
	vm0 =	vgt.s32 v10, $0x1;
	vm1 =	vgt.s32 v10, $0x3F  }
0x4b: {  	vm2 =	vlt.s32 v10, $0x5;
	vm3 =	vgt.s32 v10, $0x7;
	vm4 =	vgt.s32 v10, $0xF  }
0x4c: {  	vm5 =	vgt.s32 v10, $0x1F;
	vm10 =	vgt.s32 v11, $0x1;
	vm11 =	vgt.s32 v11, $0x7  }
0x4d: {  	vm12 =	vgt.s32 v11, $0xF;
	vm13 =	vgt.s32 v11, $0x1F;
	vm14 =	vgt.s32 v11, $0x3F  }
0x4e: {  	vm15 =	vlt.s32 v11, $0x5;
	v10 =	vnsel vm0, $0x1, v10;
	v58 =	vsel vm3, $0x5, v4  }
0x4f: {  	v14 =	vsel vm4, $0x1, v5;
	v60 =	vsel vm11, $0x5, v4;
	v15 =	vsel vm12, $0x1, v5  }
0x50: {  	v61 =	vsel vm13, $0x1, v5;
	v12 =	vadd.s32 v14, v58;
	v14 =	vadd.s32 v15, v60  }
0x51: {  	v16 =	vnsel vm10, $0x1, v11;
	v62 =	vsel vm14, $0x1, v5;
	v14 =	vadd.s32 v61, v14  }
0x52: {  	v59 =	vsel vm5, $0x1, v5;
	v11 =	vadd.s32 $0xFFFFFFFF, v16;
	v14 =	vadd.s32 v62, v14  }
0x53: {  	v63 =	vsel vm1, $0x1, v5;
	v12 =	vadd.s32 v59, v12;
	v11 =	vsel vm15, v11, v14  }
0x54: {  	v10 =	vadd.s32 $0xFFFFFFFF, v10;
	v12 =	vadd.s32 v63, v12;
	v11 =	vmul.u32 $0x9, v11  }
0x55: {  	v10 =	vsel vm2, v10, v12  }
0x56: {  	s26 =	sadd.s32 $0x10, s29;
	v10 =	vadd.s32 v10, v11  }
0x57: {  	s28 =	simm.s32 $0x0;
	[tilespmem:s26+$0x0] =	vst v10  }
0x58: {  	[hbm4b:s9+s28] =	stream.linear.scatter [tilespmem:s15], [sflag:$0x4], $0x1900, $0x38;
	[tilespmem:$0x15A00] =	vst v63  }
0x59: {  	_ =	swait.ge [sflag:s14], $0x1900  }
0x5a: {  	[sflag:s14] =	ssyncset.done $0x0  }
0x5b: {  	[sflag:s14] =	ssyncadd.s32 $0xFFFFE700  }
0x5c: {  	[tilespmem:s16], [sflag:$0x4] =	stream.linear.gather [hbm4b:s10+s28], $0x400, $0x38;
	[tilespmem:$0x15A00] =	vst v63  }
0x5d: {  	_ =	swait.ge [sflag:s14], $0x400  }
0x5e: {  	[sflag:s14] =	ssyncset.done $0x0  }
0x5f: {  	s29 =	simm.s32 $0x8100;
	[sflag:s14] =	ssyncadd.s32 $0xFFFFFC00  }
0x60: {  	[tilespmem:s29], [sflag:$0x4] =	stream.linear.gather [hbm4b:s11+s28], $0x200, $0x38;
	[tilespmem:$0x15A00] =	vst v63  }
0x61: {  	_ =	swait.ge [sflag:s14], $0x200  }
0x62: {  	[sflag:s14] =	ssyncset.done $0x0  }
0x63: {  	s30 =	simm.s32 $0x8300;
	[sflag:s14] =	ssyncadd.s32 $0xFFFFFE00  }
0x64: {  	[tilespmem:s30], [sflag:$0x4] =	stream.linear.gather [hbm4b:s11+s28], $0x200, $0x38;
	[tilespmem:$0x15A00] =	vst v63  }
0x65: {  	_ =	swait.ge [sflag:s14], $0x200  }
0x66: {  	[sflag:s14] =	ssyncset.done $0x0  }
0x67: {  	[sflag:s14] =	ssyncadd.s32 $0xFFFFFE00  }
0x68: {  	[tilespmem:s19], [sflag:$0x4] =	stream.linear.gather [hbm4b:s5+s28], $0x2880, $0x38;
	[tilespmem:$0x15A00] =	vst v63  }
0x69: {  	_ =	swait.ge [sflag:s14], $0x2880  }
0x6a: {  	s31 =	sshll.u32 s2, $0x6;
	[sflag:s14] =	ssyncset.done $0x0  }
0x6b: {  	s0 =	sor.u32 $0x1C04, s31;
	[sflag:s14] =	ssyncadd.s32 $0xFFFFD780  }
0x6c: {  	[spmem:s20], [sflag:s0] =	dma.local [hbm:s5], $0x510  }
0x6d: {  	_ =	swait.ge [sflag:s14], $0x510  }
0x6e: {  	[sflag:s14] =	ssyncset.done $0x0  }
0x6f: {  	p0 =	por $0x1, $0x1;
	p1 =	por $0x0, $0x0;
	[sflag:s14] =	ssyncadd.s32 $0xFFFFFAF0  }
.LBB2_4:
0x70: {  	s29 =	sshll.u32 s28, $0x9  }
0x71: {  	v10 =	vor.u32 s29, v1  }
0x72: {  	v11 =	vor.u32 s29, v3  }
0x73: {  	s26 =	sshll.u32 s28, $0x8  }
0x74: {  	v12 =	vld [tilespmem:s26+$0x8100]  }
0x75: {  	v13 =	vld [tilespmem:s26+$0x8300]  }
0x76: {  	v10 =	vld.idx.msk [tilespmem:v10+s16+$0x0], $0xffff  }
0x77: {  	v11 =	vld.idx.msk [tilespmem:v11+s16+$0x0], $0xffff;
	_ =	sdelay $0x3  }
0x78: {  	s0 =	sor.u32 $0x20, s29;
	v10 =	vsub.s32 v12, v10  }
0x79: {  	v28 =	vor.u32 s0, v1;
	v11 =	vsub.s32 v13, v11;
	vm0 =	vgt.s32 v10, $0x7  }
0x7a: {  	vm6 =	vgt.s32 v10, $0xF;
	vm1 =	vgt.s32 v10, $0x1;
	vm7 =	vgt.s32 v10, $0x1F  }
0x7b: {  	vm8 =	vgt.s32 v10, $0x3F;
	vm9 =	vgt.s32 v11, $0x7;
	vm10 =	vlt.s32 v10, $0x5  }
0x7c: {  	vm11 =	vgt.s32 v11, $0xF;
	vm12 =	vgt.s32 v11, $0x1F;
	vm13 =	vgt.s32 v11, $0x3F  }
0x7d: {  	vm14 =	vgt.s32 v11, $0x1;
	vm15 =	vlt.s32 v11, $0x5;
	v20 =	vsel vm0, $0x5, v4  }
0x7e: {  	v14 =	vsel vm6, $0x1, v5;
	v21 =	vsel vm7, $0x1, v5;
	v22 =	vsel vm8, $0x1, v5  }
0x7f: {  	v23 =	vnsel vm1, $0x1, v10;
	v10 =	vsel vm9, $0x5, v4;
	v24 =	vsel vm11, $0x1, v5  }
0x80: {  	v25 =	vsel vm12, $0x1, v5;
	v26 =	vsel vm13, $0x1, v5;
	v12 =	vadd.s32 v14, v20  }
0x81: {  	v27 =	vnsel vm14, $0x1, v11;
	v10 =	vadd.s32 v24, v10;
	v12 =	vadd.s32 v21, v12  }
0x82: {  	v13 =	vadd.s32 $0xFFFFFFFF, v23;
	v10 =	vadd.s32 v25, v10;
	v12 =	vadd.s32 v22, v12  }
0x83: {  	v11 =	vadd.s32 $0xFFFFFFFF, v27;
	v10 =	vadd.s32 v26, v10;
	v12 =	vsel vm10, v13, v12  }
0x84: {  	v10 =	vsel vm15, v11, v10;
	v12 =	vmul.u32 $0x9, v12  }
0x85: {  	v11 =	vor.u32 s0, v6;
	v10 =	vadd.s32 v2, v10  }
0x86: {  	v10 =	vadd.s32 v12, v10  }
0x87: {  	[tilespmem:$0xD980] =	vst v10  }
0x88: {  	v10 =	vld.idx.msk [tilespmem:v28+s16+$0x0], $0xffff  }
0x89: {  	v29 =	vld [tilespmem:s26+$0x8110]  }
0x8a: {  	v11 =	vld.idx.msk [tilespmem:v11+s16+$0x0], $0xffff  }
0x8b: {  	v30 =	vld [tilespmem:s26+$0x8310];
	_ =	sdelay $0x3  }
0x8c: {  	s17 =	sor.u32 $0x40, s29;
	v10 =	vsub.s32 v29, v10  }
0x8d: {  	v40 =	vor.u32 s17, v1;
	v11 =	vsub.s32 v30, v11;
	vm4 =	vgt.s32 v10, $0x7  }
0x8e: {  	vm5 =	vgt.s32 v10, $0xF;
	vm6 =	vgt.s32 v10, $0x1;
	vm7 =	vgt.s32 v10, $0x1F  }
0x8f: {  	vm8 =	vgt.s32 v10, $0x3F;
	vm9 =	vgt.s32 v11, $0x7;
	vm10 =	vlt.s32 v10, $0x5  }
0x90: {  	vm11 =	vgt.s32 v11, $0xF;
	vm12 =	vgt.s32 v11, $0x1F;
	vm13 =	vgt.s32 v11, $0x3F  }
0x91: {  	vm14 =	vgt.s32 v11, $0x1;
	vm15 =	vlt.s32 v11, $0x5;
	v31 =	vsel vm4, $0x5, v4  }
0x92: {  	v32 =	vsel vm5, $0x1, v5;
	v33 =	vsel vm7, $0x1, v5;
	v34 =	vsel vm8, $0x1, v5  }
0x93: {  	v35 =	vnsel vm6, $0x1, v10;
	v10 =	vsel vm9, $0x5, v4;
	v36 =	vsel vm11, $0x1, v5  }
0x94: {  	v37 =	vsel vm12, $0x1, v5;
	v38 =	vsel vm13, $0x1, v5;
	v12 =	vadd.s32 v32, v31  }
0x95: {  	v39 =	vnsel vm14, $0x1, v11;
	v10 =	vadd.s32 v36, v10;
	v12 =	vadd.s32 v33, v12  }
0x96: {  	v13 =	vadd.s32 $0xFFFFFFFF, v35;
	v10 =	vadd.s32 v37, v10;
	v12 =	vadd.s32 v34, v12  }
0x97: {  	v11 =	vadd.s32 $0xFFFFFFFF, v39;
	v10 =	vadd.s32 v38, v10;
	v12 =	vsel vm10, v13, v12  }
0x98: {  	v10 =	vsel vm15, v11, v10;
	v12 =	vmul.u32 $0x9, v12  }
0x99: {  	v11 =	vor.u32 s17, v7;
	v10 =	vadd.s32 v2, v10  }
0x9a: {  	v10 =	vadd.s32 v12, v10  }
0x9b: {  	[tilespmem:$0xD990] =	vst v10  }
0x9c: {  	v10 =	vld.idx.msk [tilespmem:v40+s16+$0x0], $0xffff  }
0x9d: {  	v41 =	vld [tilespmem:s26+$0x8120]  }
0x9e: {  	v11 =	vld.idx.msk [tilespmem:v11+s16+$0x0], $0xffff  }
0x9f: {  	v42 =	vld [tilespmem:s26+$0x8320];
	_ =	sdelay $0x3  }
0xa0: {  	s18 =	sor.u32 $0x60, s29;
	v10 =	vsub.s32 v41, v10  }
0xa1: {  	v52 =	vor.u32 s18, v1;
	v11 =	vsub.s32 v42, v11;
	vm4 =	vgt.s32 v10, $0x7  }
0xa2: {  	vm5 =	vgt.s32 v10, $0xF;
	vm6 =	vgt.s32 v10, $0x1;
	vm7 =	vgt.s32 v10, $0x1F  }
0xa3: {  	vm8 =	vgt.s32 v10, $0x3F;
	vm9 =	vgt.s32 v11, $0x7;
	vm10 =	vlt.s32 v10, $0x5  }
0xa4: {  	vm11 =	vgt.s32 v11, $0xF;
	vm12 =	vgt.s32 v11, $0x1F;
	vm13 =	vgt.s32 v11, $0x3F  }
0xa5: {  	vm14 =	vgt.s32 v11, $0x1;
	vm15 =	vlt.s32 v11, $0x5;
	v43 =	vsel vm4, $0x5, v4  }
0xa6: {  	v44 =	vsel vm5, $0x1, v5;
	v45 =	vsel vm7, $0x1, v5;
	v46 =	vsel vm8, $0x1, v5  }
0xa7: {  	v47 =	vnsel vm6, $0x1, v10;
	v10 =	vsel vm9, $0x5, v4;
	v48 =	vsel vm11, $0x1, v5  }
0xa8: {  	v49 =	vsel vm12, $0x1, v5;
	v50 =	vsel vm13, $0x1, v5;
	v12 =	vadd.s32 v44, v43  }
0xa9: {  	v51 =	vnsel vm14, $0x1, v11;
	v10 =	vadd.s32 v48, v10;
	v12 =	vadd.s32 v45, v12  }
0xaa: {  	v13 =	vadd.s32 $0xFFFFFFFF, v47;
	v10 =	vadd.s32 v49, v10;
	v12 =	vadd.s32 v46, v12  }
0xab: {  	v11 =	vadd.s32 $0xFFFFFFFF, v51;
	v10 =	vadd.s32 v50, v10;
	v12 =	vsel vm10, v13, v12  }
0xac: {  	v10 =	vsel vm15, v11, v10;
	v12 =	vmul.u32 $0x9, v12  }
0xad: {  	v11 =	vor.u32 s18, v8;
	v10 =	vadd.s32 v2, v10  }
0xae: {  	v10 =	vadd.s32 v12, v10  }
0xaf: {  	[tilespmem:$0xD9A0] =	vst v10  }
0xb0: {  	v10 =	vld.idx.msk [tilespmem:v52+s16+$0x0], $0xffff  }
0xb1: {  	v53 =	vld [tilespmem:s26+$0x8130]  }
0xb2: {  	v11 =	vld.idx.msk [tilespmem:v11+s16+$0x0], $0xffff  }
0xb3: {  	v54 =	vld [tilespmem:s26+$0x8330];
	_ =	sdelay $0x3  }
0xb4: {  	s31 =	sor.u32 $0x80, s29;
	v10 =	vsub.s32 v53, v10  }
0xb5: {  	v16 =	vor.u32 s31, v1;
	v11 =	vsub.s32 v54, v11;
	vm4 =	vgt.s32 v10, $0x7  }
0xb6: {  	vm5 =	vgt.s32 v10, $0xF;
	vm6 =	vgt.s32 v10, $0x1;
	vm7 =	vgt.s32 v10, $0x1F  }
0xb7: {  	vm8 =	vgt.s32 v10, $0x3F;
	vm9 =	vgt.s32 v11, $0x7;
	vm10 =	vlt.s32 v10, $0x5  }
0xb8: {  	vm11 =	vgt.s32 v11, $0xF;
	vm12 =	vgt.s32 v11, $0x1F;
	vm13 =	vgt.s32 v11, $0x3F  }
0xb9: {  	vm14 =	vgt.s32 v11, $0x1;
	vm15 =	vlt.s32 v11, $0x5;
	v55 =	vsel vm4, $0x5, v4  }
0xba: {  	v56 =	vsel vm5, $0x1, v5;
	v57 =	vsel vm7, $0x1, v5;
	v58 =	vsel vm8, $0x1, v5  }
0xbb: {  	v59 =	vnsel vm6, $0x1, v10;
	v10 =	vsel vm9, $0x5, v4;
	v60 =	vsel vm11, $0x1, v5  }
0xbc: {  	v61 =	vsel vm12, $0x1, v5;
	v62 =	vsel vm13, $0x1, v5;
	v12 =	vadd.s32 v56, v55  }
0xbd: {  	v63 =	vnsel vm14, $0x1, v11;
	v10 =	vadd.s32 v60, v10;
	v12 =	vadd.s32 v57, v12  }
0xbe: {  	v13 =	vadd.s32 $0xFFFFFFFF, v59;
	v10 =	vadd.s32 v61, v10;
	v12 =	vadd.s32 v58, v12  }
0xbf: {  	v11 =	vadd.s32 $0xFFFFFFFF, v63;
	v10 =	vadd.s32 v62, v10;
	v12 =	vsel vm10, v13, v12  }
0xc0: {  	v10 =	vsel vm15, v11, v10;
	v12 =	vmul.u32 $0x9, v12  }
0xc1: {  	v11 =	vor.u32 s31, v3;
	v10 =	vadd.s32 v2, v10  }
0xc2: {  	v10 =	vadd.s32 v12, v10  }
0xc3: {  	[tilespmem:$0xD9B0] =	vst v10  }
0xc4: {  	v10 =	vld.idx.msk [tilespmem:v16+s16+$0x0], $0xffff  }
0xc5: {  	v17 =	vld [tilespmem:s26+$0x8140]  }
0xc6: {  	v11 =	vld.idx.msk [tilespmem:v11+s16+$0x0], $0xffff  }
0xc7: {  	v18 =	vld [tilespmem:s26+$0x8340];
	_ =	sdelay $0x3  }
0xc8: {  	s17 =	sor.u32 $0xA0, s29;
	v10 =	vsub.s32 v17, v10  }
0xc9: {  	v28 =	vor.u32 s17, v1;
	v11 =	vsub.s32 v18, v11;
	vm4 =	vgt.s32 v10, $0x7  }
0xca: {  	vm5 =	vgt.s32 v10, $0xF;
	vm6 =	vgt.s32 v10, $0x1;
	vm7 =	vgt.s32 v10, $0x1F  }
0xcb: {  	vm8 =	vgt.s32 v10, $0x3F;
	vm9 =	vgt.s32 v11, $0x7;
	vm10 =	vlt.s32 v10, $0x5  }
0xcc: {  	vm11 =	vgt.s32 v11, $0xF;
	vm12 =	vgt.s32 v11, $0x1F;
	vm13 =	vgt.s32 v11, $0x3F  }
0xcd: {  	vm14 =	vgt.s32 v11, $0x1;
	vm15 =	vlt.s32 v11, $0x5;
	v19 =	vsel vm4, $0x5, v4  }
0xce: {  	v20 =	vsel vm5, $0x1, v5;
	v21 =	vsel vm7, $0x1, v5;
	v22 =	vsel vm8, $0x1, v5  }
0xcf: {  	v23 =	vnsel vm6, $0x1, v10;
	v10 =	vsel vm9, $0x5, v4;
	v24 =	vsel vm11, $0x1, v5  }
0xd0: {  	v25 =	vsel vm12, $0x1, v5;
	v26 =	vsel vm13, $0x1, v5;
	v12 =	vadd.s32 v20, v19  }
0xd1: {  	v27 =	vnsel vm14, $0x1, v11;
	v10 =	vadd.s32 v24, v10;
	v12 =	vadd.s32 v21, v12  }
0xd2: {  	v13 =	vadd.s32 $0xFFFFFFFF, v23;
	v10 =	vadd.s32 v25, v10;
	v12 =	vadd.s32 v22, v12  }
0xd3: {  	v11 =	vadd.s32 $0xFFFFFFFF, v27;
	v10 =	vadd.s32 v26, v10;
	v12 =	vsel vm10, v13, v12  }
0xd4: {  	v10 =	vsel vm15, v11, v10;
	v12 =	vmul.u32 $0x9, v12  }
0xd5: {  	v11 =	vor.u32 s17, v6;
	v10 =	vadd.s32 v2, v10  }
0xd6: {  	v10 =	vadd.s32 v12, v10  }
0xd7: {  	[tilespmem:$0xD9C0] =	vst v10  }
0xd8: {  	v10 =	vld.idx.msk [tilespmem:v28+s16+$0x0], $0xffff  }
0xd9: {  	v29 =	vld [tilespmem:s26+$0x8150]  }
0xda: {  	v11 =	vld.idx.msk [tilespmem:v11+s16+$0x0], $0xffff  }
0xdb: {  	v30 =	vld [tilespmem:s26+$0x8350];
	_ =	sdelay $0x3  }
0xdc: {  	s18 =	sor.u32 $0xC0, s29;
	v10 =	vsub.s32 v29, v10  }
0xdd: {  	v40 =	vor.u32 s18, v1;
	v11 =	vsub.s32 v30, v11;
	vm4 =	vgt.s32 v10, $0x7  }
0xde: {  	vm5 =	vgt.s32 v10, $0xF;
	vm6 =	vgt.s32 v10, $0x1;
	vm7 =	vgt.s32 v10, $0x1F  }
0xdf: {  	vm8 =	vgt.s32 v10, $0x3F;
	vm9 =	vgt.s32 v11, $0x7;
	vm10 =	vlt.s32 v10, $0x5  }
0xe0: {  	vm11 =	vgt.s32 v11, $0xF;
	vm12 =	vgt.s32 v11, $0x1F;
	vm13 =	vgt.s32 v11, $0x3F  }
0xe1: {  	vm14 =	vgt.s32 v11, $0x1;
	vm15 =	vlt.s32 v11, $0x5;
	v31 =	vsel vm4, $0x5, v4  }
0xe2: {  	v32 =	vsel vm5, $0x1, v5;
	v33 =	vsel vm7, $0x1, v5;
	v34 =	vsel vm8, $0x1, v5  }
0xe3: {  	v35 =	vnsel vm6, $0x1, v10;
	v10 =	vsel vm9, $0x5, v4;
	v36 =	vsel vm11, $0x1, v5  }
0xe4: {  	v37 =	vsel vm12, $0x1, v5;
	v38 =	vsel vm13, $0x1, v5;
	v12 =	vadd.s32 v32, v31  }
0xe5: {  	v39 =	vnsel vm14, $0x1, v11;
	v10 =	vadd.s32 v36, v10;
	v12 =	vadd.s32 v33, v12  }
0xe6: {  	v13 =	vadd.s32 $0xFFFFFFFF, v35;
	v10 =	vadd.s32 v37, v10;
	v12 =	vadd.s32 v34, v12  }
0xe7: {  	v11 =	vadd.s32 $0xFFFFFFFF, v39;
	v10 =	vadd.s32 v38, v10;
	v12 =	vsel vm10, v13, v12  }
0xe8: {  	v10 =	vsel vm15, v11, v10;
	v12 =	vmul.u32 $0x9, v12  }
0xe9: {  	v11 =	vor.u32 s18, v7;
	v10 =	vadd.s32 v2, v10  }
0xea: {  	v10 =	vadd.s32 v12, v10  }
0xeb: {  	[tilespmem:$0xD9D0] =	vst v10  }
0xec: {  	v10 =	vld.idx.msk [tilespmem:v40+s16+$0x0], $0xffff  }
0xed: {  	v41 =	vld [tilespmem:s26+$0x8160]  }
0xee: {  	v11 =	vld.idx.msk [tilespmem:v11+s16+$0x0], $0xffff  }
0xef: {  	v42 =	vld [tilespmem:s26+$0x8360];
	_ =	sdelay $0x3  }
0xf0: {  	s31 =	sor.u32 $0xE0, s29;
	v10 =	vsub.s32 v41, v10  }
0xf1: {  	v52 =	vor.u32 s31, v1;
	v11 =	vsub.s32 v42, v11;
	vm4 =	vgt.s32 v10, $0x7  }
0xf2: {  	vm5 =	vgt.s32 v10, $0xF;
	vm6 =	vgt.s32 v10, $0x1;
	vm7 =	vgt.s32 v10, $0x1F  }
0xf3: {  	vm8 =	vgt.s32 v10, $0x3F;
	vm9 =	vgt.s32 v11, $0x7;
	vm10 =	vlt.s32 v10, $0x5  }
0xf4: {  	vm11 =	vgt.s32 v11, $0xF;
	vm12 =	vgt.s32 v11, $0x1F;
	vm13 =	vgt.s32 v11, $0x3F  }
0xf5: {  	vm14 =	vgt.s32 v11, $0x1;
	vm15 =	vlt.s32 v11, $0x5;
	v43 =	vsel vm4, $0x5, v4  }
0xf6: {  	v44 =	vsel vm5, $0x1, v5;
	v45 =	vsel vm7, $0x1, v5;
	v46 =	vsel vm8, $0x1, v5  }
0xf7: {  	v47 =	vnsel vm6, $0x1, v10;
	v10 =	vsel vm9, $0x5, v4;
	v48 =	vsel vm11, $0x1, v5  }
0xf8: {  	v49 =	vsel vm12, $0x1, v5;
	v50 =	vsel vm13, $0x1, v5;
	v12 =	vadd.s32 v44, v43  }
0xf9: {  	v51 =	vnsel vm14, $0x1, v11;
	v10 =	vadd.s32 v48, v10;
	v12 =	vadd.s32 v45, v12  }
0xfa: {  	v13 =	vadd.s32 $0xFFFFFFFF, v47;
	v10 =	vadd.s32 v49, v10;
	v12 =	vadd.s32 v46, v12  }
0xfb: {  	v11 =	vadd.s32 $0xFFFFFFFF, v51;
	v10 =	vadd.s32 v50, v10;
	v12 =	vsel vm10, v13, v12  }
0xfc: {  	v10 =	vsel vm15, v11, v10;
	v12 =	vmul.u32 $0x9, v12  }
0xfd: {  	v11 =	vor.u32 s31, v8;
	v10 =	vadd.s32 v2, v10  }
0xfe: {  	v10 =	vadd.s32 v12, v10  }
0xff: {  	[tilespmem:$0xD9E0] =	vst v10  }
0x100: {  	v10 =	vld.idx.msk [tilespmem:v52+s16+$0x0], $0xffff  }
0x101: {  	v53 =	vld [tilespmem:s26+$0x8170]  }
0x102: {  	v11 =	vld.idx.msk [tilespmem:v11+s16+$0x0], $0xffff  }
0x103: {  	v54 =	vld [tilespmem:s26+$0x8370];
	_ =	sdelay $0x3  }
0x104: {  	v10 =	vsub.s32 v53, v10  }
0x105: {  	v11 =	vsub.s32 v54, v11;
	vm4 =	vgt.s32 v10, $0x7  }
0x106: {  	vm5 =	vgt.s32 v10, $0xF;
	vm6 =	vgt.s32 v10, $0x1F;
	vm7 =	vgt.s32 v10, $0x3F  }
0x107: {  	vm8 =	vgt.s32 v10, $0x1;
	vm9 =	vlt.s32 v10, $0x5;
	vm10 =	vgt.s32 v11, $0x7  }
0x108: {  	vm11 =	vgt.s32 v11, $0xF;
	vm12 =	vgt.s32 v11, $0x1;
	vm13 =	vgt.s32 v11, $0x1F  }
0x109: {  	vm14 =	vgt.s32 v11, $0x3F;
	v55 =	vsel vm4, $0x5, v4;
	v56 =	vsel vm5, $0x1, v5  }
0x10a: {  	v57 =	vsel vm6, $0x1, v5;
	v58 =	vsel vm7, $0x1, v5;
	v12 =	vadd.s32 v56, v55  }
0x10b: {  	v15 =	vnsel vm8, $0x1, v10;
	v59 =	vsel vm10, $0x5, v4;
	v12 =	vadd.s32 v57, v12  }
0x10c: {  	v60 =	vsel vm11, $0x1, v5;
	v10 =	vadd.s32 $0xFFFFFFFF, v15;
	v12 =	vadd.s32 v58, v12  }
0x10d: {  	v61 =	vsel vm13, $0x1, v5;
	v10 =	vsel vm9, v10, v12;
	v12 =	vadd.s32 v60, v59  }
0x10e: {  	v62 =	vnsel vm12, $0x1, v11;
	v63 =	vsel vm14, $0x1, v5;
	v12 =	vadd.s32 v61, v12  }
0x10f: {  	vm15 =	vlt.s32 v11, $0x5;
	v11 =	vadd.s32 $0xFFFFFFFF, v62;
	v12 =	vadd.s32 v63, v12  }
0x110: {  	v10 =	vmul.u32 $0x9, v10;
	v11 =	vsel vm15, v11, v12  }
0x111: {  	v11 =	vadd.s32 v2, v11  }
0x112: {  	v10 =	vadd.s32 v10, v11  }
0x113: {  	s30 =	simm.s32 @!p1 $0xDA00;
	s0 =	simm.s32 @!p1 $0x80;
	s29 =	simm.s32 @!p1 $0xD980;
	[tilespmem:$0xD9F0] =	vst v10  }
0x114: {  	[tilespmem:s30], [sflag:$0x1] =	stream.indirect.gather @!p1 [spmem:s3], $0x80, s29, s0, $0xb8;
	[tilespmem:$0x15A00] =	vst v63  }
0x115: {  	s0 =	simm.s32 @p1 $0x2  }
0x116: {  	_ =	swait.ge @p1 [sflag:s0], $0x4000  }
0x117: {  	s29 =	simm.s32 @p1 $0xD980;
	[sflag:s0] =	ssyncset.done @p1 $0x0  }
0x118: {  	s30 =	simm.s32 @p1 $0xDA00;
	[sflag:s0] =	ssyncadd.s32 @p1 $0xFFFFC000;
	s0 =	simm.s32 @p1 $0x80  }
0x119: {  	[tilespmem:s30], [sflag:$0x1] =	stream.indirect.gather @p1 [spmem:s3], $0x80, s29, s0, $0xb8;
	[tilespmem:$0x15A00] =	vst v63  }
0x11a: {  	s0 =	simm.s32 @p1 $0x3  }
0x11b: {  	s28 =	sshllo.u32 s28, $0x1;
	_ =	swait.ge @p1 [sflag:s0], $0x4000  }
0x11c: {  	s29 =	sshll.u32 s28, $0x7;
	[sflag:s0] =	ssyncset.done @p1 $0x0  }
0x11d: {  	p2 =	por p0, p0;
	s30 =	simm.s32 $0x0;
	v10 =	vmov s29;
	[sflag:s0] =	ssyncadd.s32 @p1 $0xFFFFC000  }
.LBB2_5:
0x11e: {  	s0 =	sshll.u32 s30, $0x4  }
0x11f: {  	s31 =	sadd.s32 s29, s0  }
0x120: {  	s31 =	sshll.u32 s31, $0x1  }
0x121: {  	v11 =	vor.u32 s31, v1;
	_ =	sdelay $0x3  }
0x122: {  	v13 =	vld.idx.msk [tilespmem:v10+s0+$0x8100 ss:$0x1], $0xffff  }
0x123: {  	v12 =	vor.u32 s31, v3;
	v11 =	vld.idx.msk [tilespmem:v11+s16+$0x0], $0xffff;
	_ =	sdelay $0x3  }
0x124: {  	s31 =	simm.s32 $0x5  }
0x125: {  	v18 =	vadd.s32 s31, v0;
	v12 =	vld.idx.msk [tilespmem:v12+s16+$0x0], $0xffff;
	v11 =	vsub.s32 v13, v11  }
0x126: {  	v18 =	vand.u32 $0x7F, v18;
	v13 =	vld.idx.msk [tilespmem:v10+s0+$0x8300 ss:$0x1], $0xffff;
	vm0 =	vgt.s32 v11, $0x7  }
0x127: {  	vm1 =	vgt.s32 v11, $0xF;
	vm6 =	vgt.s32 v11, $0x1F;
	vm7 =	vgt.s32 v11, $0x3F  }
0x128: {  	vm8 =	vgt.s32 v11, $0x1;
	v14 =	vsel vm0, $0x5, v4;
	v15 =	vsel vm1, $0x1, v5  }
0x129: {  	vm9 =	vlt.s32 v11, $0x5;
	v14 =	vadd.s32 v15, v14;
	v15 =	vsel vm6, $0x1, v5  }
0x12a: {  	v16 =	vnsel vm8, $0x1, v11;
	v14 =	vadd.s32 v15, v14;
	v15 =	vsel vm7, $0x1, v5  }
0x12b: {  	v11 =	vadd.s32 $0xFFFFFFFF, v16;
	v14 =	vadd.s32 v15, v14;
	v12 =	vsub.s32 v13, v12  }
0x12c: {  	v11 =	vsel vm9, v11, v14;
	vm10 =	vgt.s32 v12, $0x7;
	vm11 =	vgt.s32 v12, $0xF  }
0x12d: {  	vm12 =	vgt.s32 v12, $0x1F;
	vm13 =	vgt.s32 v12, $0x3F;
	vm14 =	vgt.s32 v12, $0x1  }
0x12e: {  	vm15 =	vlt.s32 v12, $0x5;
	v13 =	vsel vm10, $0x5, v4;
	v14 =	vsel vm11, $0x1, v5  }
0x12f: {  	v15 =	vsel vm13, $0x1, v5;
	v13 =	vadd.s32 v14, v13;
	v14 =	vsel vm12, $0x1, v5  }
0x130: {  	v11 =	vmul.u32 $0x9, v11;
	v13 =	vadd.s32 v14, v13;
	v14 =	vnsel vm14, $0x1, v12  }
0x131: {  	s18 =	simm.s32 $0x0;
	v13 =	vadd.s32 v15, v13;
	v12 =	vadd.s32 $0xFFFFFFFF, v14;
	v14 =	vmov s0  }
0x132: {  	v12 =	vsel vm15, v12, v13;
	v13 =	vshll.u32 v14, $0x7;
	v14 =	vadd.s32 s18, v0  }
0x133: {  	s17 =	simm.s32 $0x7;
	v12 =	vadd.s32 v12, v11;
	v11 =	vor.u32 v9, v13;
	v13 =	vand.u32 $0x7F, v14  }
0x134: {  	v14 =	vadd.s32 s17, v0;
	s17 =	simm.s32 $0x4;
	v12 =	vshll.u32 v12, $0x7;
	v15 =	vor.u32 v11, v13  }
0x135: {  	s18 =	simm.s32 $0x6;
	v14 =	vand.u32 $0x7F, v14;
	v19 =	vadd.s32 s17, v0;
	v13 =	vor.u32 v12, v13  }
0x136: {  	s31 =	simm.s32 $0x3;
	v16 =	vadd.s32 s18, v0;
	v17 =	vor.u32 v12, v14;
	v19 =	vand.u32 $0x7F, v19  }
0x137: {  	v21 =	vadd.s32 s31, v0;
	s18 =	simm.s32 $0x2;
	v16 =	vand.u32 $0x7F, v16;
	v24 =	vor.u32 v12, v19  }
0x138: {  	v21 =	vand.u32 $0x7F, v21;
	v23 =	vadd.s32 s18, v0;
	v20 =	vor.u32 v12, v16  }
0x139: {  	s31 =	simm.s32 $0x1;
	v32 =	vor.u32 v11, v18;
	v35 =	vor.u32 v11, v21;
	v22 =	vor.u32 v12, v18  }
0x13a: {  	v23 =	vand.u32 $0x7F, v23;
	v26 =	vor.u32 v12, v21;
	v25 =	vld.idx.msk [tilespmem:v13+s19+$0x0], $0xffff;
	v13 =	vadd.s32 s31, v0  }
0x13b: {  	s17 =	simm.s32 $0x8;
	v28 =	vor.u32 v11, v14;
	v29 =	vor.u32 v12, v23;
	v17 =	vld.idx.msk [tilespmem:v17+s19+$0x0], $0xffff;
	v27 =	vand.u32 $0x7F, v13  }
0x13c: {  	s18 =	simm.s32 $0xF;
	v33 =	vor.u32 v11, v19;
	v13 =	vadd.s32 s17, v0;
	v24 =	vld.idx.msk [tilespmem:v24+s19+$0x0], $0xffff;
	v31 =	vor.u32 v12, v27  }
0x13d: {  	v30 =	vor.u32 v11, v16;
	v18 =	vadd.s32 s18, v0;
	v20 =	vld.idx.msk [tilespmem:v20+s19+$0x0], $0xffff;
	s31 =	simm.s32 $0xD;
	v14 =	vand.u32 $0x7F, v13  }
0x13e: {  	v19 =	vor.u32 v11, v23;
	v22 =	vld.idx.msk [tilespmem:v22+s19+$0x0], $0xffff;
	s17 =	simm.s32 $0xE;
	v23 =	vadd.s32 s31, v0;
	v13 =	vor.u32 v11, v14  }
0x13f: {  	v34 =	vld.idx.msk [tilespmem:v26+s19+$0x0], $0xffff;
	v16 =	vor.u32 v12, v14;
	v14 =	vand.u32 $0x7F, v18;
	v18 =	vadd.s32 s17, v0;
	[tilespmem:v15+s21+$0x0] =	vst.idx.msk $0xffff, v25  }
0x140: {  	[tilespmem:v28+s21+$0x0] =	vst.idx.msk $0xffff, v17;
	v17 =	vand.u32 $0x7F, v18;
	v18 =	vand.u32 $0x7F, v23;
	v23 =	vld.idx.msk [tilespmem:v29+s19+$0x0], $0xffff  }
0x141: {  	s18 =	simm.s32 $0xC;
	v21 =	vor.u32 v11, v27;
	v15 =	vor.u32 v12, v14;
	[tilespmem:v33+s21+$0x0] =	vst.idx.msk $0xffff, v24;
	v24 =	vld.idx.msk [tilespmem:v31+s19+$0x0], $0xffff  }
0x142: {  	s31 =	simm.s32 $0xB;
	[tilespmem:v30+s21+$0x0] =	vst.idx.msk $0xffff, v20;
	v20 =	vadd.s32 s18, v0;
	v25 =	vor.u32 v12, v17  }
0x143: {  	s17 =	simm.s32 $0xA;
	[tilespmem:v32+s21+$0x0] =	vst.idx.msk $0xffff, v22;
	v22 =	vadd.s32 s31, v0;
	v20 =	vand.u32 $0x7F, v20;
	v26 =	vor.u32 v12, v18  }
0x144: {  	s0 =	simm.s32 $0x9;
	v28 =	vadd.s32 s17, v0;
	s31 =	simm.s32 $0x10;
	[tilespmem:v35+s21+$0x0] =	vst.idx.msk $0xffff, v34;
	v22 =	vand.u32 $0x7F, v22;
	v27 =	vor.u32 v12, v20  }
.LBB2_6:
0x145: {  	p0 =	slt.u32 s31, $0x78;
	v29 =	vld.idx.msk [tilespmem:v16+s19+$0x0], $0xffff;
	v16 =	vadd.s32 s0, v0;
	v28 =	vand.u32 $0x7F, v28;
	v30 =	vor.u32 v12, v22;
	[tilespmem:v19+s21+$0x0] =	vst.idx.msk $0xffff, v23  }
0x146: {  	v31 =	vand.u32 $0x7F, v16;
	v19 =	vor.u32 v12, v28;
	v32 =	vld.idx.msk [tilespmem:v15+s19+$0x0], $0xffff;
	[tilespmem:v21+s21+$0x0] =	vst.idx.msk $0xffff, v24  }
0x147: {  	v33 =	vor.u32 v11, v14;
	v15 =	vadd.s32 s31, v0;
	v21 =	vor.u32 v12, v31;
	v25 =	vld.idx.msk [tilespmem:v25+s19+$0x0], $0xffff  }
0x148: {  	s0 =	sadd.s32 $0x7, s31;
	v34 =	vor.u32 v11, v17;
	v14 =	vand.u32 $0x7F, v15;
	v26 =	vld.idx.msk [tilespmem:v26+s19+$0x0], $0xffff  }
0x149: {  	v35 =	vor.u32 v11, v18;
	v15 =	vadd.s32 s0, v0;
	v17 =	vor.u32 v11, v14;
	v27 =	vld.idx.msk [tilespmem:v27+s19+$0x0], $0xffff  }
0x14a: {  	v36 =	vor.u32 v11, v20;
	v16 =	vor.u32 v12, v14;
	v14 =	vand.u32 $0x7F, v15;
	v30 =	vld.idx.msk [tilespmem:v30+s19+$0x0], $0xffff  }
0x14b: {  	s0 =	sadd.s32 $0x6, s31;
	v15 =	vor.u32 v12, v14;
	[tilespmem:v13+s21+$0x0] =	vst.idx.msk $0xffff, v29;
	v23 =	vld.idx.msk [tilespmem:v19+s19+$0x0], $0xffff;
	v29 =	vor.u32 v11, v22  }
.Ltmp1:
0x14c: {  	s17 =	sadd.s32 $0x5, s31;
	v18 =	vadd.s32 s0, v0;
	v19 =	vor.u32 v11, v28;
	v13 =	vmov v17;
	v24 =	vld.idx.msk [tilespmem:v21+s19+$0x0], $0xffff;
	[tilespmem:v33+s21+$0x0] =	vst.idx.msk $0xffff, v32;
	(pc) =	sbr.rel @p0 .LBB2_6-.Ltmp1, $4  }
0x14d: {  	v20 =	vadd.s32 s17, v0;
	s0 =	sadd.s32 $0x4, s31;
	v17 =	vand.u32 $0x7F, v18;
	v21 =	vor.u32 v11, v31;
	[tilespmem:v34+s21+$0x0] =	vst.idx.msk $0xffff, v25  }
0x14e: {  	s17 =	sadd.s32 $0x3, s31;
	v22 =	vadd.s32 s0, v0;
	v18 =	vand.u32 $0x7F, v20;
	v25 =	vor.u32 v12, v17;
	[tilespmem:v35+s21+$0x0] =	vst.idx.msk $0xffff, v26  }
0x14f: {  	s18 =	sadd.s32 $0x2, s31;
	v31 =	vadd.s32 s17, v0;
	v20 =	vand.u32 $0x7F, v22;
	v26 =	vor.u32 v12, v18;
	[tilespmem:v36+s21+$0x0] =	vst.idx.msk $0xffff, v27  }
0x150: {  	s0 =	sadd.s32 $0x1, s31;
	v28 =	vadd.s32 s18, v0;
	s31 =	sadd.s32 $0x8, s31;
	v22 =	vand.u32 $0x7F, v31;
	v27 =	vor.u32 v12, v20;
	[tilespmem:v29+s21+$0x0] =	vst.idx.msk $0xffff, v30  }
0x151: {  	_ =	sdelay $0x3  }
0x152: {  	v16 =	vld.idx.msk [tilespmem:v16+s19+$0x0], $0xffff;
	v29 =	vadd.s32 s0, v0;
	v28 =	vand.u32 $0x7F, v28;
	v30 =	vor.u32 v12, v22  }
0x153: {  	v15 =	vld.idx.msk [tilespmem:v15+s19+$0x0], $0xffff;
	v14 =	vor.u32 v11, v14;
	v29 =	vand.u32 $0x7F, v29;
	v31 =	vor.u32 v12, v28  }
0x154: {  	v25 =	vld.idx.msk [tilespmem:v25+s19+$0x0], $0xffff;
	v17 =	vor.u32 v11, v17;
	v57 =	vor.u32 v12, v29  }
0x155: {  	[tilespmem:v19+s21+$0x0] =	vst.idx.msk $0xffff, v23;
	v58 =	vld.idx.msk [tilespmem:v26+s19+$0x0], $0xffff;
	v18 =	vor.u32 v11, v18  }
0x156: {  	[tilespmem:v21+s21+$0x0] =	vst.idx.msk $0xffff, v24;
	v59 =	vld.idx.msk [tilespmem:v27+s19+$0x0], $0xffff;
	v20 =	vor.u32 v11, v20  }
0x157: {  	v61 =	vor.u32 v11, v22;
	v60 =	vld.idx.msk [tilespmem:v30+s19+$0x0], $0xffff;
	[tilespmem:v13+s21+$0x0] =	vst.idx.msk $0xffff, v16  }
0x158: {  	s30 =	sadd.s32 $0x1, s30;
	v63 =	vor.u32 v11, v28;
	[tilespmem:v14+s21+$0x0] =	vst.idx.msk $0xffff, v15;
	v62 =	vld.idx.msk [tilespmem:v31+s19+$0x0], $0xffff  }
0x159: {  	p0 =	sne.s32 s30, $0x8;
	v11 =	vor.u32 v11, v29;
	[tilespmem:v17+s21+$0x0] =	vst.idx.msk $0xffff, v25;
	v12 =	vld.idx.msk [tilespmem:v57+s19+$0x0], $0xffff  }
.Ltmp2:
0x15a: {  	[tilespmem:v18+s21+$0x0] =	vst.idx.msk $0xffff, v58;
	(pc) =	sbr.rel @p0 .LBB2_5-.Ltmp2, $4  }
0x15b: {  	[tilespmem:v20+s21+$0x0] =	vst.idx.msk $0xffff, v59  }
0x15c: {  	[tilespmem:v61+s21+$0x0] =	vst.idx.msk $0xffff, v60  }
0x15d: {  	[tilespmem:v63+s21+$0x0] =	vst.idx.msk $0xffff, v62  }
0x15e: {  	[tilespmem:v11+s21+$0x0] =	vst.idx.msk $0xffff, v12  }
0x15f: {  	s0 =	sshll.u32 s28, $0xB  }
0x160: {  	s0 =	sadd.s32 s0, s12  }
0x161: {  	[hbm4b:s0+s4] =	stream.linear.scatter [tilespmem:s21], [sflag:$0x3], $0x4000, $0x38;
	[tilespmem:$0x15A00] =	vst v63  }
.Ltmp3:
0x162: {  	s28 =	simm.s32 $0x1;
	(pc) =	sbr.rel @p2 .LBB2_4-.Ltmp3, $4  }
0x163: {  	s31 =	sor.u32 s8, s26;
	_ =	swait.ge [sflag:s28], $0x4000  }
0x164: {  	p0 =	por $0x0, $0x0;
	s0 =	sshll.u32 s31, $0x4;
	[sflag:s28] =	ssyncset.done $0x0  }
0x165: {  	p1 =	por $0x1, $0x1;
	s0 =	sadd.s32 s1, s0;
	[sflag:s28] =	ssyncadd.s32 $0xFFFFC000  }
0x166: {  	[hbm4b:s0+s4] =	stream.linear.scatter [tilespmem:s22], [sflag:$0x2], $0x4000, $0x38;
	[tilespmem:$0x15A00] =	vst v63  }
0x167: {  	s25 =	sadd.s32 $0x1, s25  }
0x168: {  	_ =	swait.ge [sflag:s23], $0x4000;
	p0 =	sne.s32 s25, s13  }
.Ltmp4:
0x169: {  	[sflag:s23] =	ssyncset.done $0x0;
	(pc) =	sbr.rel @p0 .LBB2_1-.Ltmp4, $4  }
0x16a: {  	[sflag:s23] =	ssyncadd.s32 $0xFFFFC000  }
0x16b: {  	_ =	swait.ge [sflag:s24], $0x4000  }
0x16c: {  	[sflag:s24] =	ssyncset.done $0x0  }
0x16d: {  	[sflag:s24] =	ssyncadd.s32 $0xFFFFC000  }
0x16e: {  	_ =	sfence.sel $0x180000  }
0x16f: {  	[bflag:$0x0] =	sbarrier.arrive $0xFFFF  }
0x170: {  	_ =	strace $0x90000047  }
0x171: {  	[bflag:$0x2] =	sbarrier.arrive $0xFFFF  }
0x172: {  	p0 =	sne.s32 s2, $0x0;
	s0 =	rddreg [dreg:$0x3]  }
0x173: {  	s0 =	sadd.s32 @!p0 $0x100000, s0  }
0x174: {  	[sflag:s0] =	ssyncadd.tile.s32 @!p0 $0x1;
	_ =	shalt  }
.Lfunc_end2:
_tile_overlayer_lowered:
.L_overlay_start_2:
0x175: {  	(tag) =	ssettag $0x2  }
0x176: {  	s0 =	rddreg [dreg:$0x0];
	s2 =	stileid.u32  }
0x177: {  	s1 =	rddreg [dreg:$0x1];
	p0 =	sne.s32 s2, $0x0  }
0x178: {  	s3 =	rddreg [dreg:$0x2];
	[bflag:$0x3] =	sbarrier.arrive $0xFFFF;
	s2 =	simm.s32 @!p0 $0x1C04  }
0x179: {  	[timem:s3], [sflag:s2] =	dma.local @!p0 [hbm:s0], s1  }
0x17a: {  	s0 =	simm.s32 @!p0 $0x4  }
0x17b: {  	_ =	swait.ge @!p0 [sflag:s0], s1  }
0x17c: {  	s1 =	ssub.s32 @!p0 $0x0, s1;
	[sflag:s0] =	ssyncset.done @!p0 $0x0  }
0x17d: {  	[sflag:s0] =	ssyncadd.s32 @!p0 s1  }
0x17e: {  	[bflag:$0x3] =	sbarrier.arrive $0xFFFF  }
0x17f: {  	_ =	shalt  }

// kernel: sparse-core-data-format-call.cloned.1.call-start
scs
called_computation_lowered:
.L_overlay_start_0:
0x0: {  	s2 =	sld [smem:$0x3FD9]  }
0x1: {  	s3 =	sld [smem:$0x3FFE];
	_ =	sdelay $0x1  }
0x2: {  	s1 =	srdreg.scid  }
0x3: {  	s0 =	sand.u32 $0x1, s1  }
0x4: {  	s18 =	sshll.u32 s0, $0xA;
	s2 =	sadd.s32 s3, s2  }
0x5: {  	s2 =	sadd.s32 s2, s18  }
0x6: {  	[smem:$0x3FC6] =	sst s2  }
0x7: {  	_ = 	snop  }
0x8: {  	s2 =	sld [smem:$0x3FD0];
	(tm) =	ssettm $0x1  }
0x9: {  	s19 =	sld [smem:$0x3FFB];
	_ =	sdelay $0x3  }
0xa: {  	_ =	strace s19  }
0xb: {  	s3 =	sld [smem:$0x3FFC];
	_ =	sdelay $0x3  }
0xc: {  	_ =	strace s3  }
0xd: {  	s3 =	sld [smem:$0x3FFD];
	_ =	sdelay $0x3  }
0xe: {  	_ =	strace s3  }
0xf: {  	_ =	strace $0x8FFFFFFF  }
0x10: {  	s20 =	sld [smem:$0x3FDB];
	_ =	sdelay $0x1  }
0x11: {  	s4 =	simm.s32 $_scs_section_size  }
0x12: {  	s5 =	simm.s32 $_size__tile_overlayer_lowered;
	s6 =	simm.s32 $_tile_overlayer_lowered  }
0x13: {  	s23 =	simm.s32 $0x1BFF;
	s22 =	sshll.u32 s6, $0x1;
	s3 =	sadd.s32 s4, s20  }
0x14: {  	s7 =	simm.s32 $0x0;
	s21 =	sshll.u32 s5, $0x1;
	s5 =	sadd.s32 s22, s3  }
0x15: {  	[timem:s7], [sflag:s23] =	dma.local [hbm:s5], s21  }
0x16: {  	_ =	swait.ge [sflag:s23], s21  }
0x17: {  	s4 =	ssub.s32 $0x0, s21;
	[sflag:s23] =	ssyncset.done $0x0  }
0x18: {  	[sflag:s23] =	ssyncadd.s32 s4;
	_ =	sdelay $0x1  }
0x19: {  	s24 =	simm.s32 $0x1B8B  }
0x1a: {  	_ =	swait.ge [sflag:s24], $0x1  }
0x1b: {  	[sflag:s24] =	ssyncset.done $0x0  }
0x1c: {  	s26 =	simm.s32 $0x1B8E;
	s25 =	sld [smem:$0x3FFE];
	[sflag:s24] =	ssyncadd.s32 $0xFFFFFFFF  }
0x1d: {  	s27 =	simm.s32 $execute0_lowered;
	[smem:$0x3FD2] =	sst s26  }
0x1e: {  	s5 =	sshll.u32 s27, $0x1;
	_ =	strace $0x80000049;
	[dreg:$0x1] =	wrdreg $0xFFFFFFFF  }
0x1f: {  	s28 =	simm.s32 $_size_execute0_lowered;
	s3 =	sadd.s32 s3, s5;
	[dreg:$0x0] =	wrdreg $0x0  }
0x20: {  	s5 =	sshll.u32 s28, $0x1;
	[dreg:$0x2] =	wrdreg s3  }
0x21: {  	[dreg:$0x3] =	wrdreg s5  }
0x22: {  	[dreg:$0x4] =	wrdreg $0xC0  }
0x23: {  	_ =	task [dreg:s7], $0x5FFFF  }
0x24: {  	[dreg:$0x1] =	wrdreg $0xFFFFFFFF  }
0x25: {  	[dreg:$0x0] =	wrdreg $0x60  }
0x26: {  	[dreg:$0x2] =	wrdreg s25  }
0x27: {  	[dreg:$0x3] =	wrdreg s2  }
0x28: {  	[dreg:$0x4] =	wrdreg $0x9  }
0x29: {  	_ =	task.clear_ibuf [dreg:s7], $0x5FFFF;
	_ =	strace $0x90000049  }
0x2a: {  	s29 =	simm.s32 $0x9;
	_ =	strace $0x8000004B  }
0x2b: {  	_ =	swait.ge [sflag:s29], $0x1  }
0x2c: {  	[sflag:s29] =	ssyncadd.s32 $0xFFFFFFFF  }
0x2d: {  	_ =	strace $0x9000004B  }
0x2e: {  	_ =	sfence  }
0x2f: {  	s30 =	sld [smem:$0x0];
	_ =	sdelay $0x2  }
0x30: {  	s31 =	sshll.u32 s1, $0xD;
	s1 =	sshrl.u32 s1, $0x2  }
0x31: {  	s3 =	sand.u32 $0x4000, s31;
	s1 =	sadd.s32 s1, s30  }
0x32: {  	s0 =	sor.u32 s3, s0;
	s1 =	sshll.u32 s1, $0x11  }
0x33: {  	s0 =	sor.u32 s1, s0  }
0x34: {  	s0 =	sadd.s32 $0x8F2B, s0  }
0x35: {  	[sflag:s0] =	ssyncadd.remote.s32 $0x1  }
0x36: {  	_ =	sfence.sel $0xFFFF  }
0x37: {  	[dreg:$0x0] =	wrdreg $0xFFFFFFFF;
	(pc) =	sbr.abs _section_cstart, $3  }
0x38: {  	[dreg:$0x1] =	wrdreg $0xFFFFFFFF  }
0x39: {  	_ =	task.clear_ibuf [dreg:s7], $0x2FFFF;
	_ =	strace $0x9FFFFFFF  }
0x3a: {  	(tm) =	ssettm $0x7FFFFFFF  }
0x3b: {  	_ =	shalt  }
tec
execute0_lowered:
.L_overlay_start_1:
0x0: {  	(tag) =	ssettag $0x1  }
0x1: {  	s0 =	srdreg.scid  }
0x2: {  	s1 =	sshll.u32 s0, $0x4  }
0x3: {  	s0 =	stileid.u32;
	s1 =	sand.u32 $0x10, s1  }
0x4: {  	s1 =	sor.u32 s0, s1  }
0x5: {  	s6 =	rddreg [dreg:$0x0];
	s4 =	simm.s32 $0x1;
	s2 =	sshll.u32 s1, $0x7  }
0x6: {  	s7 =	simm.s32 $0x2;
	s12 =	simm.s32 $0x0;
	s1 =	ssub.s32 $0x2000, s2  }
0x7: {  	s8 =	simm.s32 $0x10000;
	s13 =	simm.s32 $0x0;
	s3 =	sand.u32 $0xF80, s1  }
0x8: {  	s9 =	simm.s32 $0x0;
	s5 =	sshrl.u32 s1, $0xC;
	p0 =	sne.s32 s3, $0x0  }
.Ltmp0:
0x9: {  	s1 =	rddreg [dreg:$0x2];
	s4 =	simm.s32 @!p0 $0x0;
	(pc) =	sbr.rel .LBB1_1-.Ltmp0, $4  }
0xa: {  	s11 =	simm.s32 $0x0;
	s3 =	rddreg [dreg:$0x1];
	s5 =	sadd.s32 s4, s5  }
0xb: {  	_ =	strace $0x8000004A;
	s4 =	simm.s32 $0x1;
	s5 =	smul.u32 $0x32, s5  }
0xc: {  	s6 =	sadd.s32 $0x1200, s6;
	s10 =	smov.u32 s2;
	[sflag:s4] =	ssyncpa.u1 $0x0  }
0xd: {  	p0 =	por $0x0, $0x0;
	[sflag:s7] =	ssyncpa.u1 $0x0;
	s7 =	sor.u32 $0x1, s5  }
.LBB1_4:
0xe: {  	s16 =	sshll.u32 s13, $0x3;
	s17 =	sand.u32 $0x78, s13  }
0xf: {  	s30 =	sand.u32 $0xFC00, s13;
	s12 =	sshll.u32 s12, $0x10;
	s16 =	sand.u32 $0x1C00, s16  }
0x10: {  	[tilespmem:s15+$0x810 ss:$0x81] =	vst.msk $0xffff, v2;
	s31 =	sand.u32 $0x7, s13;
	s16 =	sor.u32 s17, s16;
	s17 =	sadd.s32 s3, s30  }
0x11: {  	[tilespmem:s15+$0x1020 ss:$0x81] =	vst.msk $0xffff, v0;
	s13 =	sshll.u32 s31, $0x12;
	s12 =	sadd.s32 s12, s17;
	s16 =	sshrl.u32 s16, $0x3  }
0x12: {  	[tilespmem:s15+$0x0 ss:$0x81] =	vst.msk $0xffff, v1;
	s13 =	sor.u32 $0x400, s13;
	s12 =	sadd.s32 s16, s12  }
0x13: {  	[hbm4b:s12+s13] =	stream.strided.scatter [tilespmem:s14], [sflag:$0x2], $0x2000, s8, s13, $0x20;
	[tilespmem:$0x8080] =	vst v63  }
.LBB1_5:
0x14: {  	s14 =	sadd.s32 $0x1, s9  }
0x15: {  	s12 =	sadd.s32 $0x1000, s10;
	s16 =	smov.u32 s10;
	p2 =	sgt.s32 s14, $0x31  }
0x16: {  	s16 =	smov.u32 @p2 s12  }
0x17: {  	s14 =	simm.s32 @p2 $0x0;
	p2 =	sgt.s32 s16, $0x1FFF  }
0x18: {  	s16 =	smov.u32 @p2 s2;
	p2 =	sne.s32 s11, s7  }
.Ltmp1:
0x19: {  	p1 =	slt.u32 s11, $0x2;
	(pc) =	sbr.rel @!p2 .LBB1_6-.Ltmp1, $4  }
0x1a: {  	s15 =	simm.s32 @!p1 $0x2  }
0x1b: {  	s13 =	smov.u32 s10;
	p0 =	por !p0, !p0;
	_ =	swait.ge @!p1 [sflag:s15], $0x2000  }
0x1c: {  	s12 =	smov.u32 s9;
	[sflag:s15] =	ssyncset.done @!p1 $0x0;
	s9 =	smov.u32 s14  }
0x1d: {  	s11 =	sadd.s32 $0x1, s11;
	[sflag:s15] =	ssyncadd.s32 @!p1 $0xFFFFE000;
	s10 =	smov.u32 s16  }
.LBB1_1:
0x1e: {  	p1 =	sge.u32 s11, s5  }
0x1f: {  	s14 =	sand.u32 @!p1 $0x1FFFFFF, s9  }
0x20: {  	s15 =	smulhi.u32 @!p1 $0x4924925, s14;
	_ =	sdelay $0x1  }
0x21: {  	s15 =	smul.u32 @!p1 $0x38, s15  }
0x22: {  	s16 =	sxor.u32 @!p1 $0xFFFFFFFF, s11;
	s17 =	smul.u32 @!p1 $0x380, s10  }
0x23: {  	s31 =	sadd.s32 $0xFFFFFFFF, s11;
	s16 =	sshll.u32 @!p1 s16, $0xD;
	s14 =	ssub.s32 @!p1 s14, s15  }
0x24: {  	s15 =	sand.u32 @!p1 $0x2000, s16;
	s16 =	sadd.s32 @!p1 s6, s17;
	s14 =	sshll.u32 @!p1 s14, $0x4  }
0x25: {  	s17 =	simm.s32 @!p1 $0x1C00;
	s14 =	sadd.s32 @!p1 s14, s16;
	s16 =	simm.s32 @!p1 $0x40  }
0x26: {  	[tilespmem:s15], [sflag:$0x1] =	stream.strided.gather @!p1 [hbm4b:s14+s16], $0x2000, s17, s16, $0x38;
	[tilespmem:$0x8080] =	vst v63  }
0x27: {  	p1 =	sge.u32 s31, s5  }
.Ltmp2:
0x28: {  	_ = 	snop;
	(pc) =	sbr.rel @p1 .LBB1_5-.Ltmp2, $1  }
0x29: {  	_ =	sdelay $0x3  }
0x2a: {  	s14 =	simm.s32 $0x1  }
0x2b: {  	_ =	swait.ge [sflag:s4], $0x2000;
	s14 =	simm.s32 @!p0 $0x0  }
0x2c: {  	[sflag:s4] =	ssyncset.done $0x0;
	s15 =	sshll.u32 s14, $0xD  }
0x2d: {  	[sflag:s4] =	ssyncadd.s32 $0xFFFFE000;
	s18 =	sor.u32 $0x20, s15  }
0x2e: {  	s14 =	smul.u32 $0x8100, s14;
	v3 =	vld [tilespmem:s18+$0x10]  }
0x2f: {  	s30 =	sand.u32 $0x1, s11;
	v2 =	vld [tilespmem:s18+$0xFFFFFFF0]  }
0x30: {  	s15 =	smul.u32 $0x8100, s30;
	s14 =	sshrl.u32 s14, $0x2;
	v0 =	vld [tilespmem:s18+$0x0]  }
0x31: {  	v1 =	vld [tilespmem:s18+$0xFFFFFFE0];
	s16 =	sor.u32 $0x4000, s14  }
0x32: {  	s31 =	sshrl.u32 s15, $0x2;
	s15 =	sadd.s32 $0x0, s16  }
0x33: {  	s17 =	simm.s32 $0x4;
	s18 =	sadd.s32 $0x40, s18;
	s14 =	sor.u32 $0x4000, s31;
	[tilespmem:s15+$0x1830 ss:$0x81] =	vst.msk $0xffff, v3  }
.LBB1_3:
0x34: {  	v3 =	vld [tilespmem:s18+$0x10];
	p1 =	sne.s32 s17, $0x1FC;
	[tilespmem:s15+$0x810 ss:$0x81] =	vst.msk $0xffff, v2;
	s19 =	smov.u32 s17;
	s17 =	sadd.s32 $0x4, s17  }
.Ltmp3:
0x35: {  	v2 =	vld [tilespmem:s18+$0xFFFFFFF0];
	[tilespmem:s15+$0x1020 ss:$0x81] =	vst.msk $0xffff, v0;
	(pc) =	sbr.rel @p1 .LBB1_3-.Ltmp3, $4  }
0x36: {  	v0 =	vld [tilespmem:s18+$0x0];
	[tilespmem:s15+$0x0 ss:$0x81] =	vst.msk $0xffff, v1  }
0x37: {  	s15 =	sshra.s32 s19, $0x2;
	v1 =	vld [tilespmem:s18+$0xFFFFFFE0]  }
0x38: {  	s15 =	sadd.s32 s15, s16  }
0x39: {  	s18 =	sadd.s32 $0x40, s18;
	[tilespmem:s15+$0x1830 ss:$0x81] =	vst.msk $0xffff, v3  }
.Ltmp4:
0x3a: {  	_ = 	snop;
	(pc) =	sbr.rel .LBB1_4-.Ltmp4, $1  }
0x3b: {  	_ =	sdelay $0x3  }
.LBB1_6:
0x3c: {  	_ =	sfence.sel $0x180000  }
0x3d: {  	s2 =	simm.s32 $0x1;
	[bflag:$0x0] =	sbarrier.arrive $0xFFFF  }
0x3e: {  	s31 =	simm.s32 $0x2;
	[sflag:s2] =	ssyncpa.u1 $0x1  }
0x3f: {  	[sflag:s31] =	ssyncpa.u1 $0x1  }
0x40: {  	p0 =	sne.s32 s0, $0x0;
	_ =	strace $0x9000004A  }
0x41: {  	s0 =	sadd.s32 @!p0 $0x100000, s1;
	[bflag:$0x2] =	sbarrier.arrive $0xFFFF  }
0x42: {  	[sflag:s0] =	ssyncadd.tile.s32 @!p0 $0x1;
	_ =	shalt  }
.Lfunc_end1:
_tile_overlayer_lowered:
.L_overlay_start_2:
0x43: {  	(tag) =	ssettag $0x2  }
0x44: {  	s0 =	rddreg [dreg:$0x0];
	s2 =	stileid.u32  }
0x45: {  	s1 =	rddreg [dreg:$0x1];
	p0 =	sne.s32 s2, $0x0  }
0x46: {  	s3 =	rddreg [dreg:$0x2];
	[bflag:$0x3] =	sbarrier.arrive $0xFFFF;
	s2 =	simm.s32 @!p0 $0x1C01  }
0x47: {  	[timem:s3], [sflag:s2] =	dma.local @!p0 [hbm:s0], s1  }
0x48: {  	s0 =	simm.s32 @!p0 $0x1  }
0x49: {  	_ =	swait.ge @!p0 [sflag:s0], s1  }
0x4a: {  	s1 =	ssub.s32 @!p0 $0x0, s1;
	[sflag:s0] =	ssyncset.done @!p0 $0x0  }
0x4b: {  	[sflag:s0] =	ssyncadd.s32 @!p0 s1  }
0x4c: {  	[bflag:$0x3] =	sbarrier.arrive $0xFFFF  }
0x4d: {  	_ =	shalt  }

</sc_bundles>
